<compile_context>
chip_gen: v7x
topology: tpu7x:2x2x1
jax: 0.10.2.dev20260603
libtpu: 0.0.44.dev20260713+nightly
codegen_flags: <defaults>
</compile_context>

<pallas_src>
import functools

import jax
import jax.numpy as jnp
from jax import lax
from jax.experimental import pallas as pl
from jax.experimental.pallas import tpu as pltpu
from jax.experimental.pallas import tpu_sc as plsc

NUM_WORKERS = 32
LANES = 16
CHUNK = 16384
TAB = 128
PAD = 128

I_LO = -1.5
I_HI = 1.5
NUM_POINTS = 100
INV_H = (NUM_POINTS - 1) / (I_HI - I_LO)
OFF = -I_LO * INV_H
MAX_BUCKET = NUM_POINTS - 2


@functools.lru_cache(maxsize=None)
def _make_fhn_kernel(n: int):
    per_worker = n // NUM_WORKERS
    nch = per_worker // CHUNK
    mesh = plsc.VectorSubcoreMesh(core_axis_name="c", subcore_axis_name="s")

    @functools.partial(
        pl.kernel,
        mesh=mesh,
        out_type=jax.ShapeDtypeStruct((n,), jnp.float32),
        compiler_params=pltpu.CompilerParams(needs_layout_passes=False),
        scratch_types=[
            pltpu.VMEM((PAD,), jnp.float32),
            pltpu.VMEM((PAD,), jnp.float32),
            pltpu.VMEM((TAB,), jnp.float32),
            pltpu.VMEM((TAB,), jnp.float32),
            pltpu.VMEM((CHUNK,), jnp.float32),
            pltpu.VMEM((CHUNK,), jnp.float32),
            pltpu.VMEM((CHUNK,), jnp.float32),
            pltpu.VMEM((CHUNK,), jnp.float32),
            pltpu.SemaphoreType.DMA,
            pltpu.SemaphoreType.DMA,
            pltpu.SemaphoreType.DMA,
            pltpu.SemaphoreType.DMA,
        ],
    )
    def fhn(x_hbm, ipad_hbm, vpad_hbm, out_hbm, ivm, vvm, atab, btab,
            xb0, xb1, yb0, yb1, si0, si1, so0, so1):
        cid = lax.axis_index("c")
        sid = lax.axis_index("s")
        wid = sid * 2 + cid
        base = wid * per_worker

        pltpu.sync_copy(ipad_hbm, ivm)
        pltpu.sync_copy(vpad_hbm, vvm)

        lane = lax.iota(jnp.int32, LANES)
        for k in range(TAB // LANES):
            ii = lane + (k * LANES)
            ii1 = jnp.minimum(ii + 1, PAD - 1)
            i0 = plsc.load_gather(ivm, [ii])
            i1 = plsc.load_gather(ivm, [ii1])
            v0 = plsc.load_gather(vvm, [ii])
            v1 = plsc.load_gather(vvm, [ii1])
            slope = (v1 - v0) / (i1 - i0)
            atab[pl.ds(k * LANES, LANES)] = v0 - slope * i0
            btab[pl.ds(k * LANES, LANES)] = slope

        def in_copy(ch, buf, sem):
            off = base + ch * CHUNK
            return pltpu.make_async_copy(x_hbm.at[pl.ds(off, CHUNK)], buf, sem)

        def out_copy(ch, buf, sem):
            off = base + ch * CHUNK
            return pltpu.make_async_copy(buf, out_hbm.at[pl.ds(off, CHUNK)], sem)

        def compute(xbuf, ybuf):
            @plsc.parallel_loop(0, CHUNK // LANES, unroll=16)
            def _(i):
                o = i * LANES
                xv = xbuf[pl.ds(o, LANES)]
                xc = jnp.minimum(jnp.maximum(xv, I_LO), I_HI)
                idx = (xc * INV_H + OFF).astype(jnp.int32)
                idx = jnp.minimum(idx, MAX_BUCKET)
                a = plsc.load_gather(atab, [idx])
                b = plsc.load_gather(btab, [idx])
                ybuf[pl.ds(o, LANES)] = a + b * xc

        xbufs, ybufs = (xb0, xb1), (yb0, yb1)
        sis, sos = (si0, si1), (so0, so1)
        npairs = nch // 2
        in_copy(0, xb0, si0).start()
        in_copy(1, xb1, si1).start()

        def pair_body(g, carry):
            for p in (0, 1):
                ch = 2 * g + p
                in_copy(ch, xbufs[p], sis[p]).wait()

                @pl.when(g >= 1)
                def _wait_prev_out():
                    out_copy(ch - 2, ybufs[p], sos[p]).wait()

                compute(xbufs[p], ybufs[p])
                out_copy(ch, ybufs[p], sos[p]).start()

                @pl.when(g < npairs - 1)
                def _start_next_in():
                    in_copy(ch + 2, xbufs[p], sis[p]).start()

            return carry

        lax.fori_loop(0, npairs, pair_body, 0)
        out_copy(nch - 2, yb0, so0).wait()
        out_copy(nch - 1, yb1, so1).wait()

    return fhn


def kernel(x, I_ext_values, v_values):
    npts = I_ext_values.shape[0]
    pad = PAD - npts
    step = I_ext_values[-1] - I_ext_values[-2]
    ipad = jnp.concatenate(
        [I_ext_values,
         I_ext_values[-1] + step * jnp.arange(1, pad + 1, dtype=jnp.float32)])
    vpad = jnp.concatenate(
        [v_values, jnp.broadcast_to(v_values[-1], (pad,))])
    return _make_fhn_kernel(x.shape[0])(x, ipad, vpad)

# --- scband reference (transcript-rebuilt; emitter-appended) ---
"""Pipeline reference for scband-fhnactivation-52415780880395 (READ-ONLY COPY).

The authoritative reference and input builder live on the scoring server;
editing this copy changes nothing except your own understanding.
"""

import jax, jax.numpy as jnp
import numpy as np

A = 0.7
B = 0.8
I_MIN = -1.5
I_MAX = 1.5
NUM_POINTS = 100
N = 16777216


def _compute_v_values(I_vals):
    # Newton's method on f(v) = v - v^3/3 - (v + a)/b + I, 50 iterations from v=0,
    # vectorized over all I_ext grid points (faithful to the torch autograd loop).
    v = jnp.zeros_like(I_vals)
    for _ in range(50):
        f = v - v ** 3 / 3.0 - (v + A) / B + I_vals
        fprime = 1.0 - v ** 2 - 1.0 / B
        v = v - f / fprime
    return v


def setup_inputs(seed: int = 0) -> dict:
    key = jax.random.key(seed)
    x = jax.random.normal(key, (N,), dtype=jnp.float32)
    I_ext_values = jnp.linspace(I_MIN, I_MAX, NUM_POINTS, dtype=jnp.float32)
    v_values = _compute_v_values(I_ext_values)
    return {"x": x, "I_ext_values": I_ext_values, "v_values": v_values}


def reference(x, I_ext_values, v_values):
    x_clamped = jnp.clip(x, I_ext_values[0], I_ext_values[-1])
    # torch.bucketize(right=False): boundaries[idx-1] < input <= boundaries[idx]
    # == np.searchsorted side='left'
    idx = jnp.searchsorted(I_ext_values, x_clamped, side="left") - 1
    idx = jnp.clip(idx, 0, NUM_POINTS - 2)
    x0 = jnp.take(I_ext_values, idx)
    x1 = jnp.take(I_ext_values, idx + 1)
    y0 = jnp.take(v_values, idx)
    y1 = jnp.take(v_values, idx + 1)
    slope = (y1 - y0) / (x1 - x0)
    y = y0 + slope * (x_clamped - x0)
    return y

if __name__ == "__main__":
    import jax
    _d = setup_inputs()
    print(jax.jit(kernel)(*tuple(_d.values())))

</pallas_src>

<mosaic_0001>
#map = affine_map<(d0, d1) -> (0)>
module attributes {stable_mosaic.version = 14 : i64} {
  func.func @fhn(%arg0: i32, %arg1: i32, %arg2: memref<16777216xf32, #tpu.memory_space<hbm>>, %arg3: memref<128xf32, #tpu.memory_space<hbm>>, %arg4: memref<128xf32, #tpu.memory_space<hbm>>, %arg5: memref<16777216xf32, #tpu.memory_space<hbm>>, %arg6: memref<128xf32, #tpu.memory_space<vmem>>, %arg7: memref<128xf32, #tpu.memory_space<vmem>>, %arg8: memref<128xf32, #tpu.memory_space<vmem>>, %arg9: memref<128xf32, #tpu.memory_space<vmem>>, %arg10: memref<16384xf32, #tpu.memory_space<vmem>>, %arg11: memref<16384xf32, #tpu.memory_space<vmem>>, %arg12: memref<16384xf32, #tpu.memory_space<vmem>>, %arg13: memref<16384xf32, #tpu.memory_space<vmem>>, %arg14: memref<!tpu.dma_semaphore, #tpu.memory_space<semaphore_mem>>, %arg15: memref<!tpu.dma_semaphore, #tpu.memory_space<semaphore_mem>>, %arg16: memref<!tpu.dma_semaphore, #tpu.memory_space<semaphore_mem>>, %arg17: memref<!tpu.dma_semaphore, #tpu.memory_space<semaphore_mem>>) attributes {dimension_semantics = [#tpu.dimension_semantics<core_parallel>, #tpu.dimension_semantics<subcore_parallel>], iteration_bounds = array<i64: 2, 16>, scalar_prefetch = 0 : i64, scratch_operands = 12 : i64, tpu.core_type = #tpu.core_type<sc_vector_subcore>, window_params = [{transform_indices = #map}, {transform_indices = #map}, {transform_indices = #map}, {transform_indices = #map}]} {
    %mul3A = arith.constant 2 : i32
    %mul3A_0 = arith.muli %arg1, %mul3A : i32
    %add3A = arith.addi %mul3A_0, %arg0 : i32
    %mul3A_1 = arith.constant 524288 : i32
    %mul3A_2 = arith.muli %add3A, %mul3A_1 : i32
    "tpu.region"() ({
      %run_scoped3A = tpu.sem_alloc : memref<!tpu.dma_semaphore, #tpu.memory_space<semaphore_mem>>
      tpu.enqueue_dma source(%arg3 : memref<128xf32, #tpu.memory_space<hbm>>) target(%arg6 : memref<128xf32, #tpu.memory_space<vmem>>) target_semaphore(%run_scoped3A : memref<!tpu.dma_semaphore, #tpu.memory_space<semaphore_mem>>)
      tpu.wait_dma2 semaphore(%run_scoped3A : memref<!tpu.dma_semaphore, #tpu.memory_space<semaphore_mem>>) src(%arg3 : memref<128xf32, #tpu.memory_space<hbm>>) dst(%arg6 : memref<128xf32, #tpu.memory_space<vmem>>)
      tpu.yield
    }) : () -> ()
    "tpu.region"() ({
      %run_scoped3A = tpu.sem_alloc : memref<!tpu.dma_semaphore, #tpu.memory_space<semaphore_mem>>
      tpu.enqueue_dma source(%arg4 : memref<128xf32, #tpu.memory_space<hbm>>) target(%arg7 : memref<128xf32, #tpu.memory_space<vmem>>) target_semaphore(%run_scoped3A : memref<!tpu.dma_semaphore, #tpu.memory_space<semaphore_mem>>)
      tpu.wait_dma2 semaphore(%run_scoped3A : memref<!tpu.dma_semaphore, #tpu.memory_space<semaphore_mem>>) src(%arg4 : memref<128xf32, #tpu.memory_space<hbm>>) dst(%arg7 : memref<128xf32, #tpu.memory_space<vmem>>)
      tpu.yield
    }) : () -> ()
    %iota3A = tpu.iota {dimensions = array<i32: 0>} : vector<16xi32>
    %add3A_3 = arith.constant 0 : i32
    %add3A_4 = vector.broadcast %add3A_3 : i32 to vector<16xi32>
    %add3A_5 = arith.addi %iota3A, %add3A_4 : vector<16xi32>
    %add3A_6 = arith.constant 1 : i32
    %add3A_7 = vector.broadcast %add3A_6 : i32 to vector<16xi32>
    %add3A_8 = arith.addi %add3A_5, %add3A_7 : vector<16xi32>
    %min3A = arith.constant 127 : i32
    %min3A_9 = vector.broadcast %min3A : i32 to vector<16xi32>
    %min3A_10 = arith.minsi %add3A_8, %min3A_9 : vector<16xi32>
    %gather3A = tpu.vector_load_idx %arg6[%add3A_5] : memref<128xf32, #tpu.memory_space<vmem>>[vector<16xi32>], vector<16xf32>,
    %gather3A_11 = tpu.vector_load_idx %arg6[%min3A_10] : memref<128xf32, #tpu.memory_space<vmem>>[vector<16xi32>], vector<16xf32>,
    %gather3A_12 = tpu.vector_load_idx %arg7[%add3A_5] : memref<128xf32, #tpu.memory_space<vmem>>[vector<16xi32>], vector<16xf32>,
    %gather3A_13 = tpu.vector_load_idx %arg7[%min3A_10] : memref<128xf32, #tpu.memory_space<vmem>>[vector<16xi32>], vector<16xf32>,
    %sub3A = arith.subf %gather3A_13, %gather3A_12 : vector<16xf32>
    %sub3A_14 = arith.subf %gather3A_11, %gather3A : vector<16xf32>
    %div3A = arith.divf %sub3A, %sub3A_14 : vector<16xf32>
    %mul3A_15 = arith.mulf %div3A, %gather3A : vector<16xf32>
    %sub3A_16 = arith.subf %gather3A_12, %mul3A_15 : vector<16xf32>
    %swap3A = arith.constant 0 : index
    %swap3A_17 = tpu.vector_load %arg8[%swap3A] {strides = array<i32>} : memref<128xf32, #tpu.memory_space<vmem>>, vector<16xf32>,
    tpu.vector_store %arg8[%swap3A], %sub3A_16 {strides = array<i32>} : memref<128xf32, #tpu.memory_space<vmem>>, vector<16xf32>,
    %swap3A_18 = arith.constant 0 : index
    %swap3A_19 = tpu.vector_load %arg9[%swap3A_18] {strides = array<i32>} : memref<128xf32, #tpu.memory_space<vmem>>, vector<16xf32>,
    tpu.vector_store %arg9[%swap3A_18], %div3A {strides = array<i32>} : memref<128xf32, #tpu.memory_space<vmem>>, vector<16xf32>,
    %add3A_20 = arith.constant 16 : i32
    %add3A_21 = vector.broadcast %add3A_20 : i32 to vector<16xi32>
    %add3A_22 = arith.addi %iota3A, %add3A_21 : vector<16xi32>
    %add3A_23 = arith.constant 1 : i32
    %add3A_24 = vector.broadcast %add3A_23 : i32 to vector<16xi32>
    %add3A_25 = arith.addi %add3A_22, %add3A_24 : vector<16xi32>
    %min3A_26 = arith.constant 127 : i32
    %min3A_27 = vector.broadcast %min3A_26 : i32 to vector<16xi32>
    %min3A_28 = arith.minsi %add3A_25, %min3A_27 : vector<16xi32>
    %gather3A_29 = tpu.vector_load_idx %arg6[%add3A_22] : memref<128xf32, #tpu.memory_space<vmem>>[vector<16xi32>], vector<16xf32>,
    %gather3A_30 = tpu.vector_load_idx %arg6[%min3A_28] : memref<128xf32, #tpu.memory_space<vmem>>[vector<16xi32>], vector<16xf32>,
    %gather3A_31 = tpu.vector_load_idx %arg7[%add3A_22] : memref<128xf32, #tpu.memory_space<vmem>>[vector<16xi32>], vector<16xf32>,
    %gather3A_32 = tpu.vector_load_idx %arg7[%min3A_28] : memref<128xf32, #tpu.memory_space<vmem>>[vector<16xi32>], vector<16xf32>,
    %sub3A_33 = arith.subf %gather3A_32, %gather3A_31 : vector<16xf32>
    %sub3A_34 = arith.subf %gather3A_30, %gather3A_29 : vector<16xf32>
    %div3A_35 = arith.divf %sub3A_33, %sub3A_34 : vector<16xf32>
    %mul3A_36 = arith.mulf %div3A_35, %gather3A_29 : vector<16xf32>
    %sub3A_37 = arith.subf %gather3A_31, %mul3A_36 : vector<16xf32>
    %swap3A_38 = arith.constant 16 : index
    %swap3A_39 = tpu.vector_load %arg8[%swap3A_38] {strides = array<i32>} : memref<128xf32, #tpu.memory_space<vmem>>, vector<16xf32>,
    tpu.vector_store %arg8[%swap3A_38], %sub3A_37 {strides = array<i32>} : memref<128xf32, #tpu.memory_space<vmem>>, vector<16xf32>,
    %swap3A_40 = arith.constant 16 : index
    %swap3A_41 = tpu.vector_load %arg9[%swap3A_40] {strides = array<i32>} : memref<128xf32, #tpu.memory_space<vmem>>, vector<16xf32>,
    tpu.vector_store %arg9[%swap3A_40], %div3A_35 {strides = array<i32>} : memref<128xf32, #tpu.memory_space<vmem>>, vector<16xf32>,
    %add3A_42 = arith.constant 32 : i32
    %add3A_43 = vector.broadcast %add3A_42 : i32 to vector<16xi32>
    %add3A_44 = arith.addi %iota3A, %add3A_43 : vector<16xi32>
    %add3A_45 = arith.constant 1 : i32
    %add3A_46 = vector.broadcast %add3A_45 : i32 to vector<16xi32>
    %add3A_47 = arith.addi %add3A_44, %add3A_46 : vector<16xi32>
    %min3A_48 = arith.constant 127 : i32
    %min3A_49 = vector.broadcast %min3A_48 : i32 to vector<16xi32>
    %min3A_50 = arith.minsi %add3A_47, %min3A_49 : vector<16xi32>
    %gather3A_51 = tpu.vector_load_idx %arg6[%add3A_44] : memref<128xf32, #tpu.memory_space<vmem>>[vector<16xi32>], vector<16xf32>,
    %gather3A_52 = tpu.vector_load_idx %arg6[%min3A_50] : memref<128xf32, #tpu.memory_space<vmem>>[vector<16xi32>], vector<16xf32>,
    %gather3A_53 = tpu.vector_load_idx %arg7[%add3A_44] : memref<128xf32, #tpu.memory_space<vmem>>[vector<16xi32>], vector<16xf32>,
    %gather3A_54 = tpu.vector_load_idx %arg7[%min3A_50] : memref<128xf32, #tpu.memory_space<vmem>>[vector<16xi32>], vector<16xf32>,
    %sub3A_55 = arith.subf %gather3A_54, %gather3A_53 : vector<16xf32>
    %sub3A_56 = arith.subf %gather3A_52, %gather3A_51 : vector<16xf32>
    %div3A_57 = arith.divf %sub3A_55, %sub3A_56 : vector<16xf32>
    %mul3A_58 = arith.mulf %div3A_57, %gather3A_51 : vector<16xf32>
    %sub3A_59 = arith.subf %gather3A_53, %mul3A_58 : vector<16xf32>
    %swap3A_60 = arith.constant 32 : index
    %swap3A_61 = tpu.vector_load %arg8[%swap3A_60] {strides = array<i32>} : memref<128xf32, #tpu.memory_space<vmem>>, vector<16xf32>,
    tpu.vector_store %arg8[%swap3A_60], %sub3A_59 {strides = array<i32>} : memref<128xf32, #tpu.memory_space<vmem>>, vector<16xf32>,
    %swap3A_62 = arith.constant 32 : index
    %swap3A_63 = tpu.vector_load %arg9[%swap3A_62] {strides = array<i32>} : memref<128xf32, #tpu.memory_space<vmem>>, vector<16xf32>,
    tpu.vector_store %arg9[%swap3A_62], %div3A_57 {strides = array<i32>} : memref<128xf32, #tpu.memory_space<vmem>>, vector<16xf32>,
    %add3A_64 = arith.constant 48 : i32
    %add3A_65 = vector.broadcast %add3A_64 : i32 to vector<16xi32>
    %add3A_66 = arith.addi %iota3A, %add3A_65 : vector<16xi32>
    %add3A_67 = arith.constant 1 : i32
    %add3A_68 = vector.broadcast %add3A_67 : i32 to vector<16xi32>
    %add3A_69 = arith.addi %add3A_66, %add3A_68 : vector<16xi32>
    %min3A_70 = arith.constant 127 : i32
    %min3A_71 = vector.broadcast %min3A_70 : i32 to vector<16xi32>
    %min3A_72 = arith.minsi %add3A_69, %min3A_71 : vector<16xi32>
    %gather3A_73 = tpu.vector_load_idx %arg6[%add3A_66] : memref<128xf32, #tpu.memory_space<vmem>>[vector<16xi32>], vector<16xf32>,
    %gather3A_74 = tpu.vector_load_idx %arg6[%min3A_72] : memref<128xf32, #tpu.memory_space<vmem>>[vector<16xi32>], vector<16xf32>,
    %gather3A_75 = tpu.vector_load_idx %arg7[%add3A_66] : memref<128xf32, #tpu.memory_space<vmem>>[vector<16xi32>], vector<16xf32>,
    %gather3A_76 = tpu.vector_load_idx %arg7[%min3A_72] : memref<128xf32, #tpu.memory_space<vmem>>[vector<16xi32>], vector<16xf32>,
    %sub3A_77 = arith.subf %gather3A_76, %gather3A_75 : vector<16xf32>
    %sub3A_78 = arith.subf %gather3A_74, %gather3A_73 : vector<16xf32>
    %div3A_79 = arith.divf %sub3A_77, %sub3A_78 : vector<16xf32>
    %mul3A_80 = arith.mulf %div3A_79, %gather3A_73 : vector<16xf32>
    %sub3A_81 = arith.subf %gather3A_75, %mul3A_80 : vector<16xf32>
    %swap3A_82 = arith.constant 48 : index
    %swap3A_83 = tpu.vector_load %arg8[%swap3A_82] {strides = array<i32>} : memref<128xf32, #tpu.memory_space<vmem>>, vector<16xf32>,
    tpu.vector_store %arg8[%swap3A_82], %sub3A_81 {strides = array<i32>} : memref<128xf32, #tpu.memory_space<vmem>>, vector<16xf32>,
    %swap3A_84 = arith.constant 48 : index
    %swap3A_85 = tpu.vector_load %arg9[%swap3A_84] {strides = array<i32>} : memref<128xf32, #tpu.memory_space<vmem>>, vector<16xf32>,
    tpu.vector_store %arg9[%swap3A_84], %div3A_79 {strides = array<i32>} : memref<128xf32, #tpu.memory_space<vmem>>, vector<16xf32>,
    %add3A_86 = arith.constant 64 : i32
    %add3A_87 = vector.broadcast %add3A_86 : i32 to vector<16xi32>
    %add3A_88 = arith.addi %iota3A, %add3A_87 : vector<16xi32>
    %add3A_89 = arith.constant 1 : i32
    %add3A_90 = vector.broadcast %add3A_89 : i32 to vector<16xi32>
    %add3A_91 = arith.addi %add3A_88, %add3A_90 : vector<16xi32>
    %min3A_92 = arith.constant 127 : i32
    %min3A_93 = vector.broadcast %min3A_92 : i32 to vector<16xi32>
    %min3A_94 = arith.minsi %add3A_91, %min3A_93 : vector<16xi32>
    %gather3A_95 = tpu.vector_load_idx %arg6[%add3A_88] : memref<128xf32, #tpu.memory_space<vmem>>[vector<16xi32>], vector<16xf32>,
    %gather3A_96 = tpu.vector_load_idx %arg6[%min3A_94] : memref<128xf32, #tpu.memory_space<vmem>>[vector<16xi32>], vector<16xf32>,
    %gather3A_97 = tpu.vector_load_idx %arg7[%add3A_88] : memref<128xf32, #tpu.memory_space<vmem>>[vector<16xi32>], vector<16xf32>,
    %gather3A_98 = tpu.vector_load_idx %arg7[%min3A_94] : memref<128xf32, #tpu.memory_space<vmem>>[vector<16xi32>], vector<16xf32>,
    %sub3A_99 = arith.subf %gather3A_98, %gather3A_97 : vector<16xf32>
    %sub3A_100 = arith.subf %gather3A_96, %gather3A_95 : vector<16xf32>
    %div3A_101 = arith.divf %sub3A_99, %sub3A_100 : vector<16xf32>
    %mul3A_102 = arith.mulf %div3A_101, %gather3A_95 : vector<16xf32>
    %sub3A_103 = arith.subf %gather3A_97, %mul3A_102 : vector<16xf32>
    %swap3A_104 = arith.constant 64 : index
    %swap3A_105 = tpu.vector_load %arg8[%swap3A_104] {strides = array<i32>} : memref<128xf32, #tpu.memory_space<vmem>>, vector<16xf32>,
    tpu.vector_store %arg8[%swap3A_104], %sub3A_103 {strides = array<i32>} : memref<128xf32, #tpu.memory_space<vmem>>, vector<16xf32>,
    %swap3A_106 = arith.constant 64 : index
    %swap3A_107 = tpu.vector_load %arg9[%swap3A_106] {strides = array<i32>} : memref<128xf32, #tpu.memory_space<vmem>>, vector<16xf32>,
    tpu.vector_store %arg9[%swap3A_106], %div3A_101 {strides = array<i32>} : memref<128xf32, #tpu.memory_space<vmem>>, vector<16xf32>,
    %add3A_108 = arith.constant 80 : i32
    %add3A_109 = vector.broadcast %add3A_108 : i32 to vector<16xi32>
    %add3A_110 = arith.addi %iota3A, %add3A_109 : vector<16xi32>
    %add3A_111 = arith.constant 1 : i32
    %add3A_112 = vector.broadcast %add3A_111 : i32 to vector<16xi32>
    %add3A_113 = arith.addi %add3A_110, %add3A_112 : vector<16xi32>
    %min3A_114 = arith.constant 127 : i32
    %min3A_115 = vector.broadcast %min3A_114 : i32 to vector<16xi32>
    %min3A_116 = arith.minsi %add3A_113, %min3A_115 : vector<16xi32>
    %gather3A_117 = tpu.vector_load_idx %arg6[%add3A_110] : memref<128xf32, #tpu.memory_space<vmem>>[vector<16xi32>], vector<16xf32>,
    %gather3A_118 = tpu.vector_load_idx %arg6[%min3A_116] : memref<128xf32, #tpu.memory_space<vmem>>[vector<16xi32>], vector<16xf32>,
    %gather3A_119 = tpu.vector_load_idx %arg7[%add3A_110] : memref<128xf32, #tpu.memory_space<vmem>>[vector<16xi32>], vector<16xf32>,
    %gather3A_120 = tpu.vector_load_idx %arg7[%min3A_116] : memref<128xf32, #tpu.memory_space<vmem>>[vector<16xi32>], vector<16xf32>,
    %sub3A_121 = arith.subf %gather3A_120, %gather3A_119 : vector<16xf32>
    %sub3A_122 = arith.subf %gather3A_118, %gather3A_117 : vector<16xf32>
    %div3A_123 = arith.divf %sub3A_121, %sub3A_122 : vector<16xf32>
    %mul3A_124 = arith.mulf %div3A_123, %gather3A_117 : vector<16xf32>
    %sub3A_125 = arith.subf %gather3A_119, %mul3A_124 : vector<16xf32>
    %swap3A_126 = arith.constant 80 : index
    %swap3A_127 = tpu.vector_load %arg8[%swap3A_126] {strides = array<i32>} : memref<128xf32, #tpu.memory_space<vmem>>, vector<16xf32>,
    tpu.vector_store %arg8[%swap3A_126], %sub3A_125 {strides = array<i32>} : memref<128xf32, #tpu.memory_space<vmem>>, vector<16xf32>,
    %swap3A_128 = arith.constant 80 : index
    %swap3A_129 = tpu.vector_load %arg9[%swap3A_128] {strides = array<i32>} : memref<128xf32, #tpu.memory_space<vmem>>, vector<16xf32>,
    tpu.vector_store %arg9[%swap3A_128], %div3A_123 {strides = array<i32>} : memref<128xf32, #tpu.memory_space<vmem>>, vector<16xf32>,
    %add3A_130 = arith.constant 96 : i32
    %add3A_131 = vector.broadcast %add3A_130 : i32 to vector<16xi32>
    %add3A_132 = arith.addi %iota3A, %add3A_131 : vector<16xi32>
    %add3A_133 = arith.constant 1 : i32
    %add3A_134 = vector.broadcast %add3A_133 : i32 to vector<16xi32>
    %add3A_135 = arith.addi %add3A_132, %add3A_134 : vector<16xi32>
    %min3A_136 = arith.constant 127 : i32
    %min3A_137 = vector.broadcast %min3A_136 : i32 to vector<16xi32>
    %min3A_138 = arith.minsi %add3A_135, %min3A_137 : vector<16xi32>
    %gather3A_139 = tpu.vector_load_idx %arg6[%add3A_132] : memref<128xf32, #tpu.memory_space<vmem>>[vector<16xi32>], vector<16xf32>,
    %gather3A_140 = tpu.vector_load_idx %arg6[%min3A_138] : memref<128xf32, #tpu.memory_space<vmem>>[vector<16xi32>], vector<16xf32>,
    %gather3A_141 = tpu.vector_load_idx %arg7[%add3A_132] : memref<128xf32, #tpu.memory_space<vmem>>[vector<16xi32>], vector<16xf32>,
    %gather3A_142 = tpu.vector_load_idx %arg7[%min3A_138] : memref<128xf32, #tpu.memory_space<vmem>>[vector<16xi32>], vector<16xf32>,
    %sub3A_143 = arith.subf %gather3A_142, %gather3A_141 : vector<16xf32>
    %sub3A_144 = arith.subf %gather3A_140, %gather3A_139 : vector<16xf32>
    %div3A_145 = arith.divf %sub3A_143, %sub3A_144 : vector<16xf32>
    %mul3A_146 = arith.mulf %div3A_145, %gather3A_139 : vector<16xf32>
    %sub3A_147 = arith.subf %gather3A_141, %mul3A_146 : vector<16xf32>
    %swap3A_148 = arith.constant 96 : index
    %swap3A_149 = tpu.vector_load %arg8[%swap3A_148] {strides = array<i32>} : memref<128xf32, #tpu.memory_space<vmem>>, vector<16xf32>,
    tpu.vector_store %arg8[%swap3A_148], %sub3A_147 {strides = array<i32>} : memref<128xf32, #tpu.memory_space<vmem>>, vector<16xf32>,
    %swap3A_150 = arith.constant 96 : index
    %swap3A_151 = tpu.vector_load %arg9[%swap3A_150] {strides = array<i32>} : memref<128xf32, #tpu.memory_space<vmem>>, vector<16xf32>,
    tpu.vector_store %arg9[%swap3A_150], %div3A_145 {strides = array<i32>} : memref<128xf32, #tpu.memory_space<vmem>>, vector<16xf32>,
    %add3A_152 = arith.constant 112 : i32
    %add3A_153 = vector.broadcast %add3A_152 : i32 to vector<16xi32>
    %add3A_154 = arith.addi %iota3A, %add3A_153 : vector<16xi32>
    %add3A_155 = arith.constant 1 : i32
    %add3A_156 = vector.broadcast %add3A_155 : i32 to vector<16xi32>
    %add3A_157 = arith.addi %add3A_154, %add3A_156 : vector<16xi32>
    %min3A_158 = arith.constant 127 : i32
    %min3A_159 = vector.broadcast %min3A_158 : i32 to vector<16xi32>
    %min3A_160 = arith.minsi %add3A_157, %min3A_159 : vector<16xi32>
    %gather3A_161 = tpu.vector_load_idx %arg6[%add3A_154] : memref<128xf32, #tpu.memory_space<vmem>>[vector<16xi32>], vector<16xf32>,
    %gather3A_162 = tpu.vector_load_idx %arg6[%min3A_160] : memref<128xf32, #tpu.memory_space<vmem>>[vector<16xi32>], vector<16xf32>,
    %gather3A_163 = tpu.vector_load_idx %arg7[%add3A_154] : memref<128xf32, #tpu.memory_space<vmem>>[vector<16xi32>], vector<16xf32>,
    %gather3A_164 = tpu.vector_load_idx %arg7[%min3A_160] : memref<128xf32, #tpu.memory_space<vmem>>[vector<16xi32>], vector<16xf32>,
    %sub3A_165 = arith.subf %gather3A_164, %gather3A_163 : vector<16xf32>
    %sub3A_166 = arith.subf %gather3A_162, %gather3A_161 : vector<16xf32>
    %div3A_167 = arith.divf %sub3A_165, %sub3A_166 : vector<16xf32>
    %mul3A_168 = arith.mulf %div3A_167, %gather3A_161 : vector<16xf32>
    %sub3A_169 = arith.subf %gather3A_163, %mul3A_168 : vector<16xf32>
    %swap3A_170 = arith.constant 112 : index
    %swap3A_171 = tpu.vector_load %arg8[%swap3A_170] {strides = array<i32>} : memref<128xf32, #tpu.memory_space<vmem>>, vector<16xf32>,
    tpu.vector_store %arg8[%swap3A_170], %sub3A_169 {strides = array<i32>} : memref<128xf32, #tpu.memory_space<vmem>>, vector<16xf32>,
    %swap3A_172 = arith.constant 112 : index
    %swap3A_173 = tpu.vector_load %arg9[%swap3A_172] {strides = array<i32>} : memref<128xf32, #tpu.memory_space<vmem>>, vector<16xf32>,
    tpu.vector_store %arg9[%swap3A_172], %div3A_167 {strides = array<i32>} : memref<128xf32, #tpu.memory_space<vmem>>, vector<16xf32>,
    %add3A_174 = arith.constant 0 : i32
    %add3A_175 = arith.addi %mul3A_2, %add3A_174 : i32
    %dma_start3A = tpu.memref_slice %arg2[%add3A_175] : memref<16777216xf32, #tpu.memory_space<hbm>> -> memref<16384xf32, #tpu.memory_space<hbm>>
    %dma_start3A_176 = tpu.memref_slice %arg2[%add3A_175] : memref<16777216xf32, #tpu.memory_space<hbm>> -> memref<16384xf32, #tpu.memory_space<hbm>>
    tpu.enqueue_dma source(%dma_start3A_176 : memref<16384xf32, #tpu.memory_space<hbm>>) target(%arg10 : memref<16384xf32, #tpu.memory_space<vmem>>) target_semaphore(%arg14 : memref<!tpu.dma_semaphore, #tpu.memory_space<semaphore_mem>>)
    %add3A_177 = arith.constant 16384 : i32
    %add3A_178 = arith.addi %mul3A_2, %add3A_177 : i32
    %dma_start3A_179 = tpu.memref_slice %arg2[%add3A_178] : memref<16777216xf32, #tpu.memory_space<hbm>> -> memref<16384xf32, #tpu.memory_space<hbm>>
    %dma_start3A_180 = tpu.memref_slice %arg2[%add3A_178] : memref<16777216xf32, #tpu.memory_space<hbm>> -> memref<16384xf32, #tpu.memory_space<hbm>>
    tpu.enqueue_dma source(%dma_start3A_180 : memref<16384xf32, #tpu.memory_space<hbm>>) target(%arg11 : memref<16384xf32, #tpu.memory_space<vmem>>) target_semaphore(%arg15 : memref<!tpu.dma_semaphore, #tpu.memory_space<semaphore_mem>>)
    %scan3A = arith.constant 0 : i32
    %scan3A_181 = arith.constant 0 : i32
    %scan3A_182 = arith.constant 16 : i32
    %scan3A_183 = arith.addi %scan3A_181, %scan3A_182 : i32
    %scan3A_184 = arith.constant 1 : i32
    scf.for %scan3A_193 = %scan3A_181 to %scan3A_183 step %scan3A_184  : i32 {
      %mul3A_194 = arith.constant 2 : i32
      %mul3A_195 = arith.muli %mul3A_194, %scan3A_193 : i32
      %add3A_196 = arith.constant 0 : i32
      %add3A_197 = arith.addi %mul3A_195, %add3A_196 : i32
      %mul3A_198 = arith.constant 16384 : i32
      %mul3A_199 = arith.muli %add3A_197, %mul3A_198 : i32
      %add3A_200 = arith.addi %mul3A_2, %mul3A_199 : i32
      %dma_wait3A_201 = tpu.memref_slice %arg2[%add3A_200] : memref<16777216xf32, #tpu.memory_space<hbm>> -> memref<16384xf32, #tpu.memory_space<hbm>>
      %dma_wait3A_202 = tpu.memref_slice %arg2[%add3A_200] : memref<16777216xf32, #tpu.memory_space<hbm>> -> memref<16384xf32, #tpu.memory_space<hbm>>
      tpu.wait_dma2 semaphore(%arg14 : memref<!tpu.dma_semaphore, #tpu.memory_space<semaphore_mem>>) src(%dma_wait3A_202 : memref<16384xf32, #tpu.memory_space<hbm>>) dst(%arg10 : memref<16384xf32, #tpu.memory_space<vmem>>)
      %ge3A = arith.constant 1 : i32
      %ge3A_203 = arith.cmpi sge, %scan3A_193, %ge3A : i32
      %convert_element_type3A = arith.extui %ge3A_203 : i1 to i32
      %cond3A = arith.constant 0 : i32
      %cond3A_204 = arith.cmpi ne, %convert_element_type3A, %cond3A : i32
      scf.if %cond3A_204 {
        %sub3A_243 = arith.constant 2 : i32
        %sub3A_244 = arith.subi %add3A_197, %sub3A_243 : i32
        %mul3A_245 = arith.constant 16384 : i32
        %mul3A_246 = arith.muli %sub3A_244, %mul3A_245 : i32
        %add3A_247 = arith.addi %mul3A_2, %mul3A_246 : i32
        %dma_wait3A_248 = tpu.memref_slice %arg5[%add3A_247] : memref<16777216xf32, #tpu.memory_space<hbm>> -> memref<16384xf32, #tpu.memory_space<hbm>>
        %dma_wait3A_249 = tpu.memref_slice %arg5[%add3A_247] : memref<16777216xf32, #tpu.memory_space<hbm>> -> memref<16384xf32, #tpu.memory_space<hbm>>
        tpu.wait_dma2 semaphore(%arg16 : memref<!tpu.dma_semaphore, #tpu.memory_space<semaphore_mem>>) src(%arg12 : memref<16384xf32, #tpu.memory_space<vmem>>) dst(%dma_wait3A_249 : memref<16384xf32, #tpu.memory_space<hbm>>)
      } else {
      }
      %parallel_loop3A = arith.constant 0 : i32
      %parallel_loop3A_205 = arith.constant 1024 : i32
      %parallel_loop3A_206 = arith.constant 1 : i32
      scf.for %parallel_loop3A_243 = %parallel_loop3A to %parallel_loop3A_205 step %parallel_loop3A_206  : i32 {
        %parallel_loop3A_244 = arith.constant 16 : i32
        %parallel_loop3A_245 = arith.muli %parallel_loop3A_243, %parallel_loop3A_244 : i32
        %parallel_loop3A_246 = arith.index_cast %parallel_loop3A_245 : i32 to index
        %parallel_loop3A_247 = tpu.vector_load %arg10[%parallel_loop3A_246] {strides = array<i32>} : memref<16384xf32, #tpu.memory_space<vmem>>, vector<16xf32>,
        %parallel_loop3A_248 = arith.constant -1.500000e+00 : f32
        %parallel_loop3A_249 = vector.broadcast %parallel_loop3A_248 : f32 to vector<16xf32>
        %parallel_loop3A_250 = arith.maximumf %parallel_loop3A_247, %parallel_loop3A_249 : vector<16xf32>
        %parallel_loop3A_251 = arith.constant 1.500000e+00 : f32
        %parallel_loop3A_252 = vector.broadcast %parallel_loop3A_251 : f32 to vector<16xf32>
        %parallel_loop3A_253 = arith.minimumf %parallel_loop3A_250, %parallel_loop3A_252 : vector<16xf32>
        %parallel_loop3A_254 = arith.constant 3.300000e+01 : f32
        %parallel_loop3A_255 = vector.broadcast %parallel_loop3A_254 : f32 to vector<16xf32>
        %parallel_loop3A_256 = arith.mulf %parallel_loop3A_253, %parallel_loop3A_255 : vector<16xf32>
        %parallel_loop3A_257 = arith.constant 4.950000e+01 : f32
        %parallel_loop3A_258 = vector.broadcast %parallel_loop3A_257 : f32 to vector<16xf32>
        %parallel_loop3A_259 = arith.addf %parallel_loop3A_256, %parallel_loop3A_258 : vector<16xf32>
        %parallel_loop3A_260 = arith.fptosi %parallel_loop3A_259 : vector<16xf32> to vector<16xi32>
        %parallel_loop3A_261 = arith.constant 98 : i32
        %parallel_loop3A_262 = vector.broadcast %parallel_loop3A_261 : i32 to vector<16xi32>
        %parallel_loop3A_263 = arith.minsi %parallel_loop3A_260, %parallel_loop3A_262 : vector<16xi32>
        %parallel_loop3A_264 = tpu.vector_load_idx %arg8[%parallel_loop3A_263] : memref<128xf32, #tpu.memory_space<vmem>>[vector<16xi32>], vector<16xf32>,
        %parallel_loop3A_265 = tpu.vector_load_idx %arg9[%parallel_loop3A_263] : memref<128xf32, #tpu.memory_space<vmem>>[vector<16xi32>], vector<16xf32>,
        %parallel_loop3A_266 = arith.mulf %parallel_loop3A_265, %parallel_loop3A_253 : vector<16xf32>
        %parallel_loop3A_267 = arith.addf %parallel_loop3A_264, %parallel_loop3A_266 : vector<16xf32>
        %parallel_loop3A_268 = arith.index_cast %parallel_loop3A_245 : i32 to index
        %parallel_loop3A_269 = tpu.vector_load %arg12[%parallel_loop3A_268] {strides = array<i32>} : memref<16384xf32, #tpu.memory_space<vmem>>, vector<16xf32>,
        tpu.vector_store %arg12[%parallel_loop3A_268], %parallel_loop3A_267 {strides = array<i32>} : memref<16384xf32, #tpu.memory_space<vmem>>, vector<16xf32>,
      } {sc.loop_unroll_factor = 16 : i64, sc.parallel_access}
      %mul3A_207 = arith.constant 16384 : i32
      %mul3A_208 = arith.muli %add3A_197, %mul3A_207 : i32
      %add3A_209 = arith.addi %mul3A_2, %mul3A_208 : i32
      %dma_start3A_210 = tpu.memref_slice %arg5[%add3A_209] : memref<16777216xf32, #tpu.memory_space<hbm>> -> memref<16384xf32, #tpu.memory_space<hbm>>
      %dma_start3A_211 = tpu.memref_slice %arg5[%add3A_209] : memref<16777216xf32, #tpu.memory_space<hbm>> -> memref<16384xf32, #tpu.memory_space<hbm>>
      tpu.enqueue_dma source(%arg12 : memref<16384xf32, #tpu.memory_space<vmem>>) target(%dma_start3A_211 : memref<16384xf32, #tpu.memory_space<hbm>>) target_semaphore(%arg16 : memref<!tpu.dma_semaphore, #tpu.memory_space<semaphore_mem>>)
      %lt3A = arith.constant 15 : i32
      %lt3A_212 = arith.cmpi slt, %scan3A_193, %lt3A : i32
      %convert_element_type3A_213 = arith.extui %lt3A_212 : i1 to i32
      %cond3A_214 = arith.constant 0 : i32
      %cond3A_215 = arith.cmpi ne, %convert_element_type3A_213, %cond3A_214 : i32
      scf.if %cond3A_215 {
        %add3A_243 = arith.constant 2 : i32
        %add3A_244 = arith.addi %add3A_197, %add3A_243 : i32
        %mul3A_245 = arith.constant 16384 : i32
        %mul3A_246 = arith.muli %add3A_244, %mul3A_245 : i32
        %add3A_247 = arith.addi %mul3A_2, %mul3A_246 : i32
        %dma_start3A_248 = tpu.memref_slice %arg2[%add3A_247] : memref<16777216xf32, #tpu.memory_space<hbm>> -> memref<16384xf32, #tpu.memory_space<hbm>>
        %dma_start3A_249 = tpu.memref_slice %arg2[%add3A_247] : memref<16777216xf32, #tpu.memory_space<hbm>> -> memref<16384xf32, #tpu.memory_space<hbm>>
        tpu.enqueue_dma source(%dma_start3A_249 : memref<16384xf32, #tpu.memory_space<hbm>>) target(%arg10 : memref<16384xf32, #tpu.memory_space<vmem>>) target_semaphore(%arg14 : memref<!tpu.dma_semaphore, #tpu.memory_space<semaphore_mem>>)
      } else {
      }
      %mul3A_216 = arith.constant 2 : i32
      %mul3A_217 = arith.muli %mul3A_216, %scan3A_193 : i32
      %add3A_218 = arith.constant 1 : i32
      %add3A_219 = arith.addi %mul3A_217, %add3A_218 : i32
      %mul3A_220 = arith.constant 16384 : i32
      %mul3A_221 = arith.muli %add3A_219, %mul3A_220 : i32
      %add3A_222 = arith.addi %mul3A_2, %mul3A_221 : i32
      %dma_wait3A_223 = tpu.memref_slice %arg2[%add3A_222] : memref<16777216xf32, #tpu.memory_space<hbm>> -> memref<16384xf32, #tpu.memory_space<hbm>>
      %dma_wait3A_224 = tpu.memref_slice %arg2[%add3A_222] : memref<16777216xf32, #tpu.memory_space<hbm>> -> memref<16384xf32, #tpu.memory_space<hbm>>
      tpu.wait_dma2 semaphore(%arg15 : memref<!tpu.dma_semaphore, #tpu.memory_space<semaphore_mem>>) src(%dma_wait3A_224 : memref<16384xf32, #tpu.memory_space<hbm>>) dst(%arg11 : memref<16384xf32, #tpu.memory_space<vmem>>)
      %ge3A_225 = arith.constant 1 : i32
      %ge3A_226 = arith.cmpi sge, %scan3A_193, %ge3A_225 : i32
      %convert_element_type3A_227 = arith.extui %ge3A_226 : i1 to i32
      %cond3A_228 = arith.constant 0 : i32
      %cond3A_229 = arith.cmpi ne, %convert_element_type3A_227, %cond3A_228 : i32
      scf.if %cond3A_229 {
        %sub3A_243 = arith.constant 2 : i32
        %sub3A_244 = arith.subi %add3A_219, %sub3A_243 : i32
        %mul3A_245 = arith.constant 16384 : i32
        %mul3A_246 = arith.muli %sub3A_244, %mul3A_245 : i32
        %add3A_247 = arith.addi %mul3A_2, %mul3A_246 : i32
        %dma_wait3A_248 = tpu.memref_slice %arg5[%add3A_247] : memref<16777216xf32, #tpu.memory_space<hbm>> -> memref<16384xf32, #tpu.memory_space<hbm>>
        %dma_wait3A_249 = tpu.memref_slice %arg5[%add3A_247] : memref<16777216xf32, #tpu.memory_space<hbm>> -> memref<16384xf32, #tpu.memory_space<hbm>>
        tpu.wait_dma2 semaphore(%arg17 : memref<!tpu.dma_semaphore, #tpu.memory_space<semaphore_mem>>) src(%arg13 : memref<16384xf32, #tpu.memory_space<vmem>>) dst(%dma_wait3A_249 : memref<16384xf32, #tpu.memory_space<hbm>>)
      } else {
      }
      %parallel_loop3A_230 = arith.constant 0 : i32
      %parallel_loop3A_231 = arith.constant 1024 : i32
      %parallel_loop3A_232 = arith.constant 1 : i32
      scf.for %parallel_loop3A_243 = %parallel_loop3A_230 to %parallel_loop3A_231 step %parallel_loop3A_232  : i32 {
        %parallel_loop3A_244 = arith.constant 16 : i32
        %parallel_loop3A_245 = arith.muli %parallel_loop3A_243, %parallel_loop3A_244 : i32
        %parallel_loop3A_246 = arith.index_cast %parallel_loop3A_245 : i32 to index
        %parallel_loop3A_247 = tpu.vector_load %arg11[%parallel_loop3A_246] {strides = array<i32>} : memref<16384xf32, #tpu.memory_space<vmem>>, vector<16xf32>,
        %parallel_loop3A_248 = arith.constant -1.500000e+00 : f32
        %parallel_loop3A_249 = vector.broadcast %parallel_loop3A_248 : f32 to vector<16xf32>
        %parallel_loop3A_250 = arith.maximumf %parallel_loop3A_247, %parallel_loop3A_249 : vector<16xf32>
        %parallel_loop3A_251 = arith.constant 1.500000e+00 : f32
        %parallel_loop3A_252 = vector.broadcast %parallel_loop3A_251 : f32 to vector<16xf32>
        %parallel_loop3A_253 = arith.minimumf %parallel_loop3A_250, %parallel_loop3A_252 : vector<16xf32>
        %parallel_loop3A_254 = arith.constant 3.300000e+01 : f32
        %parallel_loop3A_255 = vector.broadcast %parallel_loop3A_254 : f32 to vector<16xf32>
        %parallel_loop3A_256 = arith.mulf %parallel_loop3A_253, %parallel_loop3A_255 : vector<16xf32>
        %parallel_loop3A_257 = arith.constant 4.950000e+01 : f32
        %parallel_loop3A_258 = vector.broadcast %parallel_loop3A_257 : f32 to vector<16xf32>
        %parallel_loop3A_259 = arith.addf %parallel_loop3A_256, %parallel_loop3A_258 : vector<16xf32>
        %parallel_loop3A_260 = arith.fptosi %parallel_loop3A_259 : vector<16xf32> to vector<16xi32>
        %parallel_loop3A_261 = arith.constant 98 : i32
        %parallel_loop3A_262 = vector.broadcast %parallel_loop3A_261 : i32 to vector<16xi32>
        %parallel_loop3A_263 = arith.minsi %parallel_loop3A_260, %parallel_loop3A_262 : vector<16xi32>
        %parallel_loop3A_264 = tpu.vector_load_idx %arg8[%parallel_loop3A_263] : memref<128xf32, #tpu.memory_space<vmem>>[vector<16xi32>], vector<16xf32>,
        %parallel_loop3A_265 = tpu.vector_load_idx %arg9[%parallel_loop3A_263] : memref<128xf32, #tpu.memory_space<vmem>>[vector<16xi32>], vector<16xf32>,
        %parallel_loop3A_266 = arith.mulf %parallel_loop3A_265, %parallel_loop3A_253 : vector<16xf32>
        %parallel_loop3A_267 = arith.addf %parallel_loop3A_264, %parallel_loop3A_266 : vector<16xf32>
        %parallel_loop3A_268 = arith.index_cast %parallel_loop3A_245 : i32 to index
        %parallel_loop3A_269 = tpu.vector_load %arg13[%parallel_loop3A_268] {strides = array<i32>} : memref<16384xf32, #tpu.memory_space<vmem>>, vector<16xf32>,
        tpu.vector_store %arg13[%parallel_loop3A_268], %parallel_loop3A_267 {strides = array<i32>} : memref<16384xf32, #tpu.memory_space<vmem>>, vector<16xf32>,
      } {sc.loop_unroll_factor = 16 : i64, sc.parallel_access}
      %mul3A_233 = arith.constant 16384 : i32
      %mul3A_234 = arith.muli %add3A_219, %mul3A_233 : i32
      %add3A_235 = arith.addi %mul3A_2, %mul3A_234 : i32
      %dma_start3A_236 = tpu.memref_slice %arg5[%add3A_235] : memref<16777216xf32, #tpu.memory_space<hbm>> -> memref<16384xf32, #tpu.memory_space<hbm>>
      %dma_start3A_237 = tpu.memref_slice %arg5[%add3A_235] : memref<16777216xf32, #tpu.memory_space<hbm>> -> memref<16384xf32, #tpu.memory_space<hbm>>
      tpu.enqueue_dma source(%arg13 : memref<16384xf32, #tpu.memory_space<vmem>>) target(%dma_start3A_237 : memref<16384xf32, #tpu.memory_space<hbm>>) target_semaphore(%arg17 : memref<!tpu.dma_semaphore, #tpu.memory_space<semaphore_mem>>)
      %lt3A_238 = arith.constant 15 : i32
      %lt3A_239 = arith.cmpi slt, %scan3A_193, %lt3A_238 : i32
      %convert_element_type3A_240 = arith.extui %lt3A_239 : i1 to i32
      %cond3A_241 = arith.constant 0 : i32
      %cond3A_242 = arith.cmpi ne, %convert_element_type3A_240, %cond3A_241 : i32
      scf.if %cond3A_242 {
        %add3A_243 = arith.constant 2 : i32
        %add3A_244 = arith.addi %add3A_219, %add3A_243 : i32
        %mul3A_245 = arith.constant 16384 : i32
        %mul3A_246 = arith.muli %add3A_244, %mul3A_245 : i32
        %add3A_247 = arith.addi %mul3A_2, %mul3A_246 : i32
        %dma_start3A_248 = tpu.memref_slice %arg2[%add3A_247] : memref<16777216xf32, #tpu.memory_space<hbm>> -> memref<16384xf32, #tpu.memory_space<hbm>>
        %dma_start3A_249 = tpu.memref_slice %arg2[%add3A_247] : memref<16777216xf32, #tpu.memory_space<hbm>> -> memref<16384xf32, #tpu.memory_space<hbm>>
        tpu.enqueue_dma source(%dma_start3A_249 : memref<16384xf32, #tpu.memory_space<hbm>>) target(%arg11 : memref<16384xf32, #tpu.memory_space<vmem>>) target_semaphore(%arg15 : memref<!tpu.dma_semaphore, #tpu.memory_space<semaphore_mem>>)
      } else {
      }
    }
    %scan3A_185 = arith.constant 16 : i32
    %add3A_186 = arith.constant 491520 : i32
    %add3A_187 = arith.addi %mul3A_2, %add3A_186 : i32
    %dma_wait3A = tpu.memref_slice %arg5[%add3A_187] : memref<16777216xf32, #tpu.memory_space<hbm>> -> memref<16384xf32, #tpu.memory_space<hbm>>
    %dma_wait3A_188 = tpu.memref_slice %arg5[%add3A_187] : memref<16777216xf32, #tpu.memory_space<hbm>> -> memref<16384xf32, #tpu.memory_space<hbm>>
    tpu.wait_dma2 semaphore(%arg16 : memref<!tpu.dma_semaphore, #tpu.memory_space<semaphore_mem>>) src(%arg12 : memref<16384xf32, #tpu.memory_space<vmem>>) dst(%dma_wait3A_188 : memref<16384xf32, #tpu.memory_space<hbm>>)
    %add3A_189 = arith.constant 507904 : i32
    %add3A_190 = arith.addi %mul3A_2, %add3A_189 : i32
    %dma_wait3A_191 = tpu.memref_slice %arg5[%add3A_190] : memref<16777216xf32, #tpu.memory_space<hbm>> -> memref<16384xf32, #tpu.memory_space<hbm>>
    %dma_wait3A_192 = tpu.memref_slice %arg5[%add3A_190] : memref<16777216xf32, #tpu.memory_space<hbm>> -> memref<16384xf32, #tpu.memory_space<hbm>>
    tpu.wait_dma2 semaphore(%arg17 : memref<!tpu.dma_semaphore, #tpu.memory_space<semaphore_mem>>) src(%arg13 : memref<16384xf32, #tpu.memory_space<vmem>>) dst(%dma_wait3A_192 : memref<16384xf32, #tpu.memory_space<hbm>>)
    return
  }
}

</mosaic_0001>

<sc_bundles>
// kernel: kernel.3.cloned.1.call-start
scs
__scs_entry_jumppad:
0x0: {  	(pc) =	sbr.rel $0x88, $3  }
0x1: {  	(tag) =	ssettag $0x0;
	lr =	simm.s32 $0x1  }
0x2: {  	[smem:$0x3F9E] =	sst lr;
	_ =	strace $0xD0000000  }
0x3: {  	_ = 	snop  }
0x4: {  	_ = 	snop  }
0x5: {  	_ = 	snop  }
0x6: {  	_ = 	snop  }
0x7: {  	_ = 	snop  }
__scs_overlays_trampoline_lowered:
0x8: {  	[smem:$0x3FAD] =	sst s0  }
0x9: {  	[smem:$0x3FAE] =	sst s1  }
0xa: {  	[smem:$0x3FAF] =	sst s2  }
0xb: {  	[smem:$0x3FB0] =	sst s3  }
0xc: {  	[smem:$0x3FB1] =	sst s4  }
0xd: {  	[smem:$0x3FB2] =	sst s5  }
0xe: {  	[smem:$0x3FB3] =	sst s6  }
0xf: {  	[smem:$0x3FB4] =	sst s7  }
0x10: {  	[smem:$0x3FB5] =	sst s8  }
0x11: {  	[smem:$0x3FB6] =	sst s9;
	s0 =	simm.s32 @!p0 $0x0  }
0x12: {  	s1 =	sld [smem:$0x3F9C];
	s0 =	simm.s32 @p0 $0x1  }
0x13: {  	[smem:$0x3FB7] =	sst s0;
	s0 =	simm.s32 @!p1 $0x0  }
0x14: {  	s2 =	sld [smem:$0x3F9B];
	s0 =	simm.s32 @p1 $0x1  }
0x15: {  	[smem:$0x3FB8] =	sst s0;
	s0 =	simm.s32 @!p2 $0x0  }
0x16: {  	s3 =	sld [smem:$0x3FDB];
	s0 =	simm.s32 @p2 $0x1  }
0x17: {  	s4 =	simm.s32 $0x1BF5;
	[smem:$0x3FBA] =	sst s0  }
0x18: {  	s0 =	sld [smem:$0x3F9D];
	_ =	swait.ge [sflag:s4], $0x0  }
0x19: {  	s7 =	sld [smem:$0x3F9E]  }
0x1a: {  	s8 =	sadd.s32 $0xFFFFE003, lr  }
0x1b: {  	s9 =	sadd.s32 $0xFFFFFEF7, lr;
	s5 =	simm.s32 $0xFFFFFFFF;
	p2 =	slt.u32 s8, $0xFFFFF086  }
0x1c: {  	p1 =	slt.u32 s9, $0xF7A;
	s5 =	simm.s32 @!p2 $0x0  }
0x1d: {  	s5 =	simm.s32 @p1 $0x1;
	p0 =	seq.s32 s7, s2  }
0x1e: {  	s7 =	smul.u32 @!p0 $0xF7A, s2;
	p2 =	seq.s32 @!p0 s5, $0x0  }
0x1f: {  	s9 =	smul.u32 $0xF7A, s1;
	s8 =	simm.s32 @!p0 $0x1BF5;
	p2 =	por !p2, p0  }
0x20: {  	[sflag:s8] =	ssyncset.s32 @!p0 $0xFFFFF086;
	s6 =	sadd.s32 @!p0 s3, s7;
	s7 =	simm.s32 @!p0 $0x108  }
0x21: {  	s3 =	sadd.s32 s3, s9;
	s6 =	sadd.s32 @!p0 $0x88, s6;
	s7 =	simm.s32 @p2 $0x1082  }
0x22: {  	[simem:s7], [sflag:s8] =	dma.local @!p0 [hbm:s6], $0xF7A  }
0x23: {  	s9 =	sor.u32 $0xD0000000, s2;
	s6 =	simm.s32 $0x108;
	_ =	swait.ge @!p0 [sflag:s8], $0x0  }
0x24: {  	s3 =	sadd.s32 $0x88, s3;
	s6 =	simm.s32 @!p1 $0x1082;
	[sflag:s4] =	ssyncset.s32 $0xFFFFF086  }
0x25: {  	[simem:s6], [sflag:s4] =	dma.local [hbm:s3], $0xF7A  }
0x26: {  	[smem:$0x3F9E] =	sst s1;
	(tag) =	ssettag s2;
	_ =	strace s9  }
0x27: {  	s1 =	sld [smem:$0x3FAE]  }
0x28: {  	s2 =	sld [smem:$0x3FAF]  }
0x29: {  	s4 =	sld [smem:$0x3FB1]  }
0x2a: {  	p0 =	seq.s32 s5, $0x0;
	s5 =	sld [smem:$0x3FB2]  }
0x2b: {  	s6 =	sld [smem:$0x3FB3]  }
0x2c: {  	s7 =	sld [smem:$0x3FB4]  }
0x2d: {  	s3 =	simm.s32 $0x108;
	s8 =	sld [smem:$0x3FB5]  }
0x2e: {  	s3 =	simm.s32 @!p0 $0x1082;
	s9 =	sld [smem:$0x3FB6]  }
0x2f: {  	lr =	sadd.s32 s0, s3;
	s0 =	sld [smem:$0x3FAD]  }
0x30: {  	s3 =	sld [smem:$0x3FB0]  }
0x31: {  	[smem:$0x3FB9] =	sst s10  }
0x32: {  	s10 =	sld [smem:$0x3FB7];
	_ =	sdelay $0x3  }
0x33: {  	p0 =	seq.s32 s10, $0x1;
	s10 =	sld [smem:$0x3FB9];
	_ =	sdelay $0x3  }
0x34: {  	[smem:$0x3FB9] =	sst s10  }
0x35: {  	s10 =	sld [smem:$0x3FB8];
	_ =	sdelay $0x3  }
0x36: {  	p1 =	seq.s32 s10, $0x1;
	s10 =	sld [smem:$0x3FB9];
	_ =	sdelay $0x3  }
0x37: {  	[smem:$0x3FB9] =	sst s10  }
0x38: {  	s10 =	sld [smem:$0x3FBA]  }
0x39: {  	_ = 	snop;
	(pc) =	sbr.ind lr, $3  }
0x3a: {  	_ = 	snop  }
0x3b: {  	_ = 	snop  }
0x3c: {  	p2 =	seq.s32 s10, $0x1;
	s10 =	sld [smem:$0x3FB9]  }
0x3d: {  	_ =	shalt  }
0x3e: {  	_ =	shalt  }
0x3f: {  	_ =	shalt  }
0x40: {  	_ =	shalt  }
0x41: {  	_ =	shalt  }
0x42: {  	_ =	shalt  }
0x43: {  	_ =	shalt  }
0x44: {  	_ =	shalt  }
0x45: {  	_ =	shalt  }
0x46: {  	_ =	shalt  }
0x47: {  	_ =	shalt  }
0x48: {  	_ =	shalt  }
0x49: {  	_ =	shalt  }
0x4a: {  	_ =	shalt  }
0x4b: {  	_ =	shalt  }
0x4c: {  	_ =	shalt  }
0x4d: {  	_ =	shalt  }
0x4e: {  	_ =	shalt  }
0x4f: {  	_ =	shalt  }
0x50: {  	_ =	shalt  }
0x51: {  	_ =	shalt  }
0x52: {  	_ =	shalt  }
0x53: {  	_ =	shalt  }
0x54: {  	_ =	shalt  }
0x55: {  	_ =	shalt  }
0x56: {  	_ =	shalt  }
0x57: {  	_ =	shalt  }
0x58: {  	_ =	shalt  }
0x59: {  	_ =	shalt  }
0x5a: {  	_ =	shalt  }
0x5b: {  	_ =	shalt  }
0x5c: {  	_ =	shalt  }
0x5d: {  	_ =	shalt  }
0x5e: {  	_ =	shalt  }
0x5f: {  	_ =	shalt  }
0x60: {  	_ =	shalt  }
0x61: {  	_ =	shalt  }
0x62: {  	_ =	shalt  }
0x63: {  	_ =	shalt  }
0x64: {  	_ =	shalt  }
0x65: {  	_ =	shalt  }
0x66: {  	_ =	shalt  }
0x67: {  	_ =	shalt  }
0x68: {  	_ =	shalt  }
0x69: {  	_ =	shalt  }
0x6a: {  	_ =	shalt  }
0x6b: {  	_ =	shalt  }
0x6c: {  	_ =	shalt  }
0x6d: {  	_ =	shalt  }
0x6e: {  	_ =	shalt  }
0x6f: {  	_ =	shalt  }
0x70: {  	_ =	shalt  }
0x71: {  	_ =	shalt  }
0x72: {  	_ =	shalt  }
0x73: {  	_ =	shalt  }
0x74: {  	_ =	shalt  }
0x75: {  	_ =	shalt  }
0x76: {  	_ =	shalt  }
0x77: {  	_ =	shalt  }
0x78: {  	_ =	shalt  }
0x79: {  	_ =	shalt  }
0x7a: {  	_ =	shalt  }
0x7b: {  	_ =	shalt  }
0x7c: {  	_ =	shalt  }
0x7d: {  	_ =	shalt  }
0x7e: {  	_ =	shalt  }
0x7f: {  	_ =	shalt  }
0x80: {  	_ =	shalt  }
0x81: {  	_ =	shalt  }
0x82: {  	_ =	shalt  }
0x83: {  	_ =	shalt  }
0x84: {  	_ =	shalt  }
0x85: {  	_ =	shalt  }
0x86: {  	_ =	shalt  }
0x87: {  	_ =	shalt  }
.Lfunc_end0:
.L_simem_size_0:
called_computation_lowered:
.L_overlay_start_0:
0x88: {  	s2 =	sld [smem:$0x3FD9]  }
0x89: {  	s3 =	sld [smem:$0x3FFE];
	_ =	sdelay $0x1  }
0x8a: {  	s1 =	srdreg.scid  }
0x8b: {  	s0 =	sand.u32 $0x1, s1  }
0x8c: {  	s17 =	sshll.u32 s0, $0xA;
	s2 =	sadd.s32 s3, s2  }
0x8d: {  	s2 =	sadd.s32 s2, s17  }
0x8e: {  	[smem:$0x3FC5] =	sst s2  }
0x8f: {  	_ = 	snop  }
0x90: {  	s2 =	sld [smem:$0x3FC9]  }
0x91: {  	s18 =	sld [smem:$0x3FD0];
	(tm) =	ssettm $0x1  }
0x92: {  	s4 =	sld [smem:$0x3FFB];
	_ =	sdelay $0x3  }
0x93: {  	_ =	strace s4  }
0x94: {  	s4 =	sld [smem:$0x3FFC];
	_ =	sdelay $0x3  }
0x95: {  	_ =	strace s4  }
0x96: {  	s4 =	sld [smem:$0x3FFD];
	_ =	sdelay $0x3  }
0x97: {  	_ =	strace s4  }
0x98: {  	_ =	strace $0x8FFFFFFF  }
0x99: {  	s19 =	sld [smem:$0x3FDB];
	_ =	sdelay $0x1  }
0x9a: {  	s5 =	simm.s32 $_scs_section_size  }
0x9b: {  	s6 =	simm.s32 $_size__tile_overlayer_lowered;
	s7 =	simm.s32 $_tile_overlayer_lowered  }
0x9c: {  	s22 =	simm.s32 $0x1BFF;
	s21 =	sshll.u32 s7, $0x1;
	s4 =	sadd.s32 s5, s19  }
0x9d: {  	s8 =	simm.s32 $0x0;
	s20 =	sshll.u32 s6, $0x1;
	s6 =	sadd.s32 s21, s4  }
0x9e: {  	[timem:s8], [sflag:s22] =	dma.local [hbm:s6], s20  }
0x9f: {  	_ =	swait.ge [sflag:s22], s20  }
0xa0: {  	s5 =	ssub.s32 $0x0, s20;
	[sflag:s22] =	ssyncset.done $0x0  }
0xa1: {  	[sflag:s22] =	ssyncadd.s32 s5;
	_ =	sdelay $0x1  }
0xa2: {  	s23 =	simm.s32 $0x1B8B  }
0xa3: {  	_ =	swait.ge [sflag:s23], $0x1  }
0xa4: {  	[sflag:s23] =	ssyncset.done $0x0  }
0xa5: {  	s25 =	simm.s32 $0x1B8E;
	s24 =	sld [smem:$0x3FFE];
	[sflag:s23] =	ssyncadd.s32 $0xFFFFFFFF  }
0xa6: {  	s26 =	simm.s32 $execute0_lowered;
	[smem:$0x3FD2] =	sst s25  }
0xa7: {  	s6 =	sshll.u32 s26, $0x1;
	_ =	strace $0x80000046;
	[dreg:$0x1] =	wrdreg $0xFFFFFFFF  }
0xa8: {  	s28 =	simm.s32 $_size_execute0_lowered;
	s4 =	sadd.s32 s4, s6;
	[dreg:$0x0] =	wrdreg $0x0  }
0xa9: {  	s6 =	sshll.u32 s28, $0x1;
	[dreg:$0x2] =	wrdreg s4  }
0xaa: {  	[dreg:$0x3] =	wrdreg s6  }
0xab: {  	[dreg:$0x4] =	wrdreg $0xC0  }
0xac: {  	_ =	task [dreg:s8], $0x5FFFF  }
0xad: {  	[dreg:$0x1] =	wrdreg $0xFFFFFFFF  }
0xae: {  	[dreg:$0x0] =	wrdreg $0x60  }
0xaf: {  	[dreg:$0x2] =	wrdreg s2  }
0xb0: {  	[dreg:$0x3] =	wrdreg s24  }
0xb1: {  	[dreg:$0x4] =	wrdreg s18  }
0xb2: {  	[dreg:$0x5] =	wrdreg $0x9  }
0xb3: {  	_ =	task.clear_ibuf [dreg:s8], $0x6FFFF;
	_ =	strace $0x90000046  }
0xb4: {  	s29 =	simm.s32 $0x9;
	_ =	strace $0x80000048  }
0xb5: {  	_ =	swait.ge [sflag:s29], $0x1  }
0xb6: {  	[sflag:s29] =	ssyncadd.s32 $0xFFFFFFFF  }
0xb7: {  	_ =	strace $0x90000048  }
0xb8: {  	_ =	sfence  }
0xb9: {  	s30 =	sld [smem:$0x0];
	_ =	sdelay $0x2  }
0xba: {  	s31 =	sshll.u32 s1, $0xD;
	s1 =	sshrl.u32 s1, $0x2  }
0xbb: {  	s3 =	sand.u32 $0x4000, s31;
	s1 =	sadd.s32 s1, s30  }
0xbc: {  	s0 =	sor.u32 s3, s0;
	s1 =	sshll.u32 s1, $0x11  }
0xbd: {  	s0 =	sor.u32 s1, s0  }
0xbe: {  	s0 =	sadd.s32 $0x8F2B, s0  }
0xbf: {  	[sflag:s0] =	ssyncadd.remote.s32 $0x1  }
0xc0: {  	_ =	sfence.sel $0xFFFF  }
0xc1: {  	[dreg:$0x0] =	wrdreg $0xFFFFFFFF;
	(pc) =	sbr.abs _section_cstart, $3  }
0xc2: {  	[dreg:$0x1] =	wrdreg $0xFFFFFFFF  }
0xc3: {  	_ =	task.clear_ibuf [dreg:s8], $0x2FFFF;
	_ =	strace $0x9FFFFFFF  }
0xc4: {  	(tm) =	ssettm $0x7FFFFFFF  }
0xc5: {  	_ =	shalt  }
tec
execute0_lowered:
.L_overlay_start_1:
0x0: {  	(tag) =	ssettag $0x1  }
0x1: {  	s1 =	rddreg [dreg:$0x0]  }
0x2: {  	s0 =	rddreg [dreg:$0x1];
	s4 =	simm.s32 $0x0;
	v4 =	vlaneseq.u32  }
0x3: {  	[smem:$0x7FF] =	sst s4;
	v0 =	vadd.s32 $0x1, v4  }
0x4: {  	s3 =	rddreg [dreg:$0x2];
	v50 =	vor.u32 $0x10, v4;
	_ =	strace $0x80000047;
	[tilespmem:$0x1FF10] =	vst v0  }
0x5: {  	v51 =	vadd.s32 $0x11, v4;
	[tilespmem:$0x1FF20] =	vst v50  }
0x6: {  	v52 =	vor.u32 $0x20, v4;
	[tilespmem:$0x1FF30] =	vst v51  }
0x7: {  	v53 =	vadd.s32 $0x21, v4;
	[tilespmem:$0x1FF40] =	vst v52  }
0x8: {  	s2 =	srdreg.scid;
	s5 =	stileid.u32;
	v56 =	vimm.s32 $0x7C7B7A79;
	v54 =	vor.u32 $0x30, v4;
	[tilespmem:$0x1FF50] =	vst v53  }
0x9: {  	s13 =	simm.s32 $0x5;
	v58 =	vimm.s32 $0x7F7F7E7D;
	s14 =	simm.s32 $0x80;
	s15 =	simm.s32 $0x200;
	v55 =	vadd.s32 $0x31, v4;
	[tilespmem:$0x1FF60] =	vst v54  }
0xa: {  	v2 =	vimm.s32 $0x74737271;
	s16 =	simm.s32 $0x4200;
	s17 =	simm.s32 $0x1;
	s18 =	simm.s32 $0x100;
	v1 =	vor.u32 $0x40, v4;
	[tilespmem:$0x1FF70] =	vst v55  }
0xb: {  	v3 =	vimm.s32 $0x78777675;
	s19 =	simm.s32 $0x180;
	s20 =	simm.s32 $0x8200;
	s21 =	simm.s32 $0x2;
	v57 =	vadd.s32 $0x41, v4;
	[tilespmem:$0x1FF80] =	vst v1  }
0xc: {  	s22 =	simm.s32 $0x4;
	s23 =	simm.s32 $0xC200;
	s24 =	simm.s32 $0x3;
	v2 =	vunpack.c.0.s8.s32 v2;
	v3 =	vunpack.c.0.s8.s32 v3;
	v5 =	vor.u32 $0x50, v4;
	[tilespmem:$0x1FF90] =	vst v57  }
0xd: {  	s25 =	simm.s32 $0x0;
	s2 =	sand.u32 $0x1, s2;
	s5 =	sshll.u32 s5, $0x14;
	v59 =	vadd.s32 $0x51, v4;
	v0 =	vunpack.c.0.s8.s32 v56;
	v1 =	vunpack.c.0.s8.s32 v58;
	[tilespmem:$0x1FFA0] =	vst v5  }
.Ltmp0:
0xe: {  	vm0 =	vcmask $0x1F10;
	s29 =	sadd.s32 $0x800, s0;
	v60 =	vor.u32 $0x60, v4;
	s6 =	sshll.u32 s2, $0x13;
	[tilespmem:$0x1FFB0] =	vst v59;
	(pc) =	sbr.rel .LBB2_1-.Ltmp0, $4  }
0xf: {  	s7 =	sadd.s32 $0x600, s0;
	v62 =	vadd.s32 $0x61, v4;
	s2 =	ssub.s32 $0x2, s2;
	[tilespmem:$0x1FFC0] =	vst v60;
	s5 =	sor.u32 s6, s5;
	v61 =	vsel vm0, v3, v2;
	v0 =	vsel vm0, v1, v0  }
0x10: {  	v63 =	vor.u32 $0x70, v4;
	[dreg:$0x4] =	wrdreg s29;
	[tilespmem:$0x1FFD0] =	vst v62;
	s30 =	sshrl.u32 s2, $0x1;
	s8 =	sshrl.u32 s5, $0x3;
	v0 =	vcombine.low v61, v0  }
0x11: {  	[tilespmem:$0x1FFE0] =	vst v63;
	s31 =	ssub.s32 s2, s30;
	s10 =	sor.u32 $0x8000, s5;
	s8 =	sadd.s32 s1, s8  }
0x12: {  	s11 =	sor.u32 $0xC000, s5;
	s12 =	smax.u32 s31, $0x1;
	s9 =	sadd.s32 $0x800, s8;
	[tilespmem:$0x1FFF0] =	vst v0  }
.LBB2_12:
0x13: {  	s25 =	sadd.s32 $0x1, s25  }
0x14: {  	_ =	swait.ge [sflag:s24], $0x4000;
	p0 =	sne.s32 s25, s12  }
.Ltmp1:
0x15: {  	[sflag:s24] =	ssyncset.done $0x0;
	(pc) =	sbr.rel @!p0 .LBB2_13-.Ltmp1, $4  }
0x16: {  	[sflag:s24] =	ssyncadd.s32 $0xFFFFC000  }
0x17: {  	_ =	swait.ge [sflag:s22], $0x4000  }
0x18: {  	[sflag:s22] =	ssyncset.done $0x0  }
0x19: {  	[sflag:s22] =	ssyncadd.s32 $0xFFFFC000  }
.LBB2_1:
0x1a: {  	s0 =	rddreg [dreg:$0x4]  }
0x1b: {  	[tilespmem:s4], [sflag:$0x5] =	stream.linear.gather [hbm4b:s0+s4], $0x80, $0x38;
	[tilespmem:$0x10200] =	vst v63  }
0x1c: {  	_ =	swait.ge [sflag:s13], $0x80  }
0x1d: {  	[sflag:s13] =	ssyncset.done $0x0  }
0x1e: {  	[sflag:s13] =	ssyncadd.s32 $0xFFFFFF80  }
0x1f: {  	[tilespmem:s14], [sflag:$0x5] =	stream.linear.gather [hbm4b:s7+s4], $0x80, $0x38;
	[tilespmem:$0x10200] =	vst v63  }
0x20: {  	_ =	swait.ge [sflag:s13], $0x80  }
0x21: {  	v3 =	vld [tilespmem:$0x1FF10];
	_ =	sdelay $0x1  }
0x22: {  	v2 =	vlaneseq.u32;
	_ =	sdelay $0x2  }
0x23: {  	[sflag:s13] =	ssyncset.done $0x0  }
0x24: {  	[sflag:s13] =	ssyncadd.s32 $0xFFFFFF80  }
0x25: {  	v0 =	vld.idx.msk [tilespmem:v2+s4+$0x0], $0xffff  }
0x26: {  	v1 =	vld.idx.msk [tilespmem:v3+s4+$0x0], $0xffff;
	_ =	sdelay $0x4  }
0x27: {  	v1 =	vsub.f32 v1, v0;
	_ =	sdelay $0x1  }
0x28: {  	(erf) = vrcp.f32 v1;
	_ =	sdelay $0x1  }
0x29: {  	v19 =	vld.idx.msk [tilespmem:v2+s14+$0x0], $0xffff  }
0x2a: {  	v20 =	vld.idx.msk [tilespmem:v3+s14+$0x0], $0xffff;
	_ =	sdelay $0x4  }
0x2b: {  	v2 =	vsub.f32 v20, v19  }
0x2c: {  	v22 =	vld [tilespmem:$0x1FF20];
	v21 =	vpop (erf)  }
0x2d: {  	v23 =	vld [tilespmem:$0x1FF30];
	v2 =	vmul.f32 v2, v21;
	_ =	sdelay $0x1  }
0x2e: {  	v0 =	vmul.f32 v2, v0;
	_ =	sdelay $0x1  }
0x2f: {  	v0 =	vsub.f32 v19, v0  }
0x30: {  	[tilespmem:$0x180] =	vst v2  }
0x31: {  	[tilespmem:$0x100] =	vst v0  }
0x32: {  	v0 =	vld.idx.msk [tilespmem:v22+s4+$0x0], $0xffff  }
0x33: {  	v24 =	vld.idx.msk [tilespmem:v23+s4+$0x0], $0xffff;
	_ =	sdelay $0x4  }
0x34: {  	v1 =	vsub.f32 v24, v0;
	_ =	sdelay $0x1  }
0x35: {  	(erf) = vrcp.f32 v1;
	_ =	sdelay $0x1  }
0x36: {  	v25 =	vld.idx.msk [tilespmem:v22+s14+$0x0], $0xffff  }
0x37: {  	v26 =	vld.idx.msk [tilespmem:v23+s14+$0x0], $0xffff;
	_ =	sdelay $0x4  }
0x38: {  	v2 =	vsub.f32 v26, v25  }
0x39: {  	v28 =	vld [tilespmem:$0x1FF40];
	v27 =	vpop (erf)  }
0x3a: {  	v29 =	vld [tilespmem:$0x1FF50];
	v2 =	vmul.f32 v2, v27;
	_ =	sdelay $0x1  }
0x3b: {  	v0 =	vmul.f32 v2, v0;
	_ =	sdelay $0x1  }
0x3c: {  	v0 =	vsub.f32 v25, v0  }
0x3d: {  	[tilespmem:$0x190] =	vst v2  }
0x3e: {  	[tilespmem:$0x110] =	vst v0  }
0x3f: {  	v0 =	vld.idx.msk [tilespmem:v28+s4+$0x0], $0xffff  }
0x40: {  	v30 =	vld.idx.msk [tilespmem:v29+s4+$0x0], $0xffff;
	_ =	sdelay $0x4  }
0x41: {  	v1 =	vsub.f32 v30, v0;
	_ =	sdelay $0x1  }
0x42: {  	(erf) = vrcp.f32 v1;
	_ =	sdelay $0x1  }
0x43: {  	v31 =	vld.idx.msk [tilespmem:v28+s14+$0x0], $0xffff  }
0x44: {  	v32 =	vld.idx.msk [tilespmem:v29+s14+$0x0], $0xffff;
	_ =	sdelay $0x4  }
0x45: {  	v2 =	vsub.f32 v32, v31  }
0x46: {  	v34 =	vld [tilespmem:$0x1FF60];
	v33 =	vpop (erf)  }
0x47: {  	v35 =	vld [tilespmem:$0x1FF70];
	v2 =	vmul.f32 v2, v33;
	_ =	sdelay $0x1  }
0x48: {  	v0 =	vmul.f32 v2, v0;
	_ =	sdelay $0x1  }
0x49: {  	v0 =	vsub.f32 v31, v0  }
0x4a: {  	[tilespmem:$0x1A0] =	vst v2  }
0x4b: {  	[tilespmem:$0x120] =	vst v0  }
0x4c: {  	v0 =	vld.idx.msk [tilespmem:v34+s4+$0x0], $0xffff  }
0x4d: {  	v36 =	vld.idx.msk [tilespmem:v35+s4+$0x0], $0xffff;
	_ =	sdelay $0x4  }
0x4e: {  	v1 =	vsub.f32 v36, v0;
	_ =	sdelay $0x1  }
0x4f: {  	(erf) = vrcp.f32 v1;
	_ =	sdelay $0x1  }
0x50: {  	v37 =	vld.idx.msk [tilespmem:v34+s14+$0x0], $0xffff  }
0x51: {  	v38 =	vld.idx.msk [tilespmem:v35+s14+$0x0], $0xffff;
	_ =	sdelay $0x4  }
0x52: {  	v2 =	vsub.f32 v38, v37  }
0x53: {  	v40 =	vld [tilespmem:$0x1FF80];
	v39 =	vpop (erf)  }
0x54: {  	v41 =	vld [tilespmem:$0x1FF90];
	v2 =	vmul.f32 v2, v39;
	_ =	sdelay $0x1  }
0x55: {  	v0 =	vmul.f32 v2, v0;
	_ =	sdelay $0x1  }
0x56: {  	v0 =	vsub.f32 v37, v0  }
0x57: {  	[tilespmem:$0x1B0] =	vst v2  }
0x58: {  	[tilespmem:$0x130] =	vst v0  }
0x59: {  	v0 =	vld.idx.msk [tilespmem:v40+s4+$0x0], $0xffff  }
0x5a: {  	v42 =	vld.idx.msk [tilespmem:v41+s4+$0x0], $0xffff;
	_ =	sdelay $0x4  }
0x5b: {  	v1 =	vsub.f32 v42, v0;
	_ =	sdelay $0x1  }
0x5c: {  	(erf) = vrcp.f32 v1;
	_ =	sdelay $0x1  }
0x5d: {  	v43 =	vld.idx.msk [tilespmem:v40+s14+$0x0], $0xffff  }
0x5e: {  	v44 =	vld.idx.msk [tilespmem:v41+s14+$0x0], $0xffff;
	_ =	sdelay $0x4  }
0x5f: {  	v2 =	vsub.f32 v44, v43  }
0x60: {  	v46 =	vld [tilespmem:$0x1FFA0];
	v45 =	vpop (erf)  }
0x61: {  	v47 =	vld [tilespmem:$0x1FFB0];
	v2 =	vmul.f32 v2, v45;
	_ =	sdelay $0x1  }
0x62: {  	v0 =	vmul.f32 v2, v0;
	_ =	sdelay $0x1  }
0x63: {  	v0 =	vsub.f32 v43, v0  }
0x64: {  	[tilespmem:$0x1C0] =	vst v2  }
0x65: {  	[tilespmem:$0x140] =	vst v0  }
0x66: {  	v0 =	vld.idx.msk [tilespmem:v46+s4+$0x0], $0xffff  }
0x67: {  	v48 =	vld.idx.msk [tilespmem:v47+s4+$0x0], $0xffff;
	_ =	sdelay $0x4  }
0x68: {  	v1 =	vsub.f32 v48, v0;
	_ =	sdelay $0x1  }
0x69: {  	(erf) = vrcp.f32 v1;
	_ =	sdelay $0x1  }
0x6a: {  	v49 =	vld.idx.msk [tilespmem:v46+s14+$0x0], $0xffff  }
0x6b: {  	v50 =	vld.idx.msk [tilespmem:v47+s14+$0x0], $0xffff;
	_ =	sdelay $0x4  }
0x6c: {  	v2 =	vsub.f32 v50, v49  }
0x6d: {  	v52 =	vld [tilespmem:$0x1FFC0];
	v51 =	vpop (erf)  }
0x6e: {  	v53 =	vld [tilespmem:$0x1FFD0];
	v2 =	vmul.f32 v2, v51;
	_ =	sdelay $0x1  }
0x6f: {  	v0 =	vmul.f32 v2, v0;
	_ =	sdelay $0x1  }
0x70: {  	v0 =	vsub.f32 v49, v0  }
0x71: {  	[tilespmem:$0x1D0] =	vst v2  }
0x72: {  	[tilespmem:$0x150] =	vst v0  }
0x73: {  	v0 =	vld.idx.msk [tilespmem:v52+s4+$0x0], $0xffff  }
0x74: {  	v54 =	vld.idx.msk [tilespmem:v53+s4+$0x0], $0xffff;
	_ =	sdelay $0x4  }
0x75: {  	v1 =	vsub.f32 v54, v0;
	_ =	sdelay $0x1  }
0x76: {  	(erf) = vrcp.f32 v1;
	_ =	sdelay $0x1  }
0x77: {  	v55 =	vld.idx.msk [tilespmem:v52+s14+$0x0], $0xffff  }
0x78: {  	v56 =	vld.idx.msk [tilespmem:v53+s14+$0x0], $0xffff;
	_ =	sdelay $0x4  }
0x79: {  	v2 =	vsub.f32 v56, v55  }
0x7a: {  	v58 =	vld [tilespmem:$0x1FFE0];
	v57 =	vpop (erf)  }
0x7b: {  	v59 =	vld [tilespmem:$0x1FFF0];
	v2 =	vmul.f32 v2, v57;
	_ =	sdelay $0x1  }
0x7c: {  	v0 =	vmul.f32 v2, v0;
	_ =	sdelay $0x1  }
0x7d: {  	v0 =	vsub.f32 v55, v0  }
0x7e: {  	[tilespmem:$0x1E0] =	vst v2  }
0x7f: {  	[tilespmem:$0x160] =	vst v0  }
0x80: {  	v0 =	vld.idx.msk [tilespmem:v58+s4+$0x0], $0xffff  }
0x81: {  	v60 =	vld.idx.msk [tilespmem:v59+s4+$0x0], $0xffff;
	_ =	sdelay $0x4  }
0x82: {  	v1 =	vsub.f32 v60, v0;
	_ =	sdelay $0x1  }
0x83: {  	(erf) = vrcp.f32 v1;
	_ =	sdelay $0x1  }
0x84: {  	v61 =	vld.idx.msk [tilespmem:v58+s14+$0x0], $0xffff  }
0x85: {  	v62 =	vld.idx.msk [tilespmem:v59+s14+$0x0], $0xffff;
	_ =	sdelay $0x4  }
0x86: {  	v2 =	vsub.f32 v62, v61  }
0x87: {  	v63 =	vpop (erf)  }
0x88: {  	v2 =	vmul.f32 v2, v63;
	_ =	sdelay $0x1  }
0x89: {  	v0 =	vmul.f32 v2, v0;
	_ =	sdelay $0x1  }
0x8a: {  	v0 =	vsub.f32 v61, v0  }
0x8b: {  	[tilespmem:$0x1F0] =	vst v2  }
0x8c: {  	[tilespmem:$0x170] =	vst v0  }
0x8d: {  	[tilespmem:s15], [sflag:$0x1] =	stream.linear.gather [hbm4b:s8+s4], $0x4000, $0x38;
	[tilespmem:$0x10200] =	vst v63  }
0x8e: {  	s26 =	simm.s32 $0x0  }
0x8f: {  	[tilespmem:s16], [sflag:$0x2] =	stream.linear.gather [hbm4b:s9+s4], $0x4000, $0x38;
	[tilespmem:$0x10200] =	vst v63  }
.LBB2_2:
0x90: {  	_ =	swait.ge [sflag:s17], $0x4000  }
0x91: {  	p0 =	seq.s32 s26, $0x0;
	[sflag:s17] =	ssyncset.done $0x0  }
0x92: {  	s0 =	simm.s32 @!p0 $0x3;
	[sflag:s17] =	ssyncadd.s32 $0xFFFFC000  }
0x93: {  	_ =	swait.ge @!p0 [sflag:s0], $0x4000  }
0x94: {  	[sflag:s0] =	ssyncset.done @!p0 $0x0  }
0x95: {  	s2 =	simm.s32 $0x280;
	[sflag:s0] =	ssyncadd.s32 @!p0 $0xFFFFC000  }
0x96: {  	v0 =	vld [tilespmem:s2+$0x70]  }
0x97: {  	v1 =	vld [tilespmem:s2+$0xFFFFFF90]  }
0x98: {  	v8 =	vld [tilespmem:s2+$0xFFFFFFE0]  }
0x99: {  	v2 =	vld [tilespmem:s2+$0xFFFFFFA0]  }
0x9a: {  	v3 =	vld [tilespmem:s2+$0xFFFFFFB0]  }
0x9b: {  	v4 =	vld [tilespmem:s2+$0xFFFFFFC0]  }
0x9c: {  	v0 =	vmax.f32 v0, $-1.500000000e+00  }
0x9d: {  	v7 =	vld [tilespmem:s2+$0xFFFFFFD0];
	v1 =	vmax.f32 v1, $-1.500000000e+00;
	v8 =	vmax.f32 v8, $-1.500000000e+00;
	v9 =	vmin.f32 v0, $1.500000000e+00  }
0x9e: {  	v5 =	vmin.f32 v1, $1.500000000e+00;
	v0 =	vmax.f32 v2, $-1.500000000e+00;
	v61 =	vmin.f32 v8, $1.500000000e+00  }
0x9f: {  	v2 =	vld [tilespmem:s2+$0xFFFFFFF0];
	v1 =	vmul.f32 $3.300000000e+01, v9;
	v6 =	vmin.f32 v0, $1.500000000e+00;
	v0 =	vmax.f32 v3, $-1.500000000e+00  }
0xa0: {  	v10 =	vmul.f32 $3.300000000e+01, v5;
	v3 =	vld [tilespmem:s2+$0x0];
	v39 =	vmin.f32 v0, $1.500000000e+00;
	v0 =	vmax.f32 v4, $-1.500000000e+00  }
0xa1: {  	v11 =	vmul.f32 $3.300000000e+01, v6;
	v1 =	vadd.f32 $4.950000000e+01, v1;
	v38 =	vmin.f32 v0, $1.500000000e+00  }
0xa2: {  	v4 =	vld [tilespmem:s2+$0x10];
	v0 =	vmax.f32 v7, $-1.500000000e+00;
	v14 =	vmul.f32 $3.300000000e+01, v39;
	v10 =	vadd.f32 $4.950000000e+01, v10  }
0xa3: {  	v7 =	vld [tilespmem:s2+$0x20];
	v0 =	vmin.f32 v0, $1.500000000e+00;
	v11 =	vadd.f32 $4.950000000e+01, v11;
	v13 =	vtrunc.f32 v1  }
0xa4: {  	v2 =	vmax.f32 v2, $-1.500000000e+00;
	v14 =	vadd.f32 $4.950000000e+01, v14;
	v10 =	vtrunc.f32 v10  }
0xa5: {  	v12 =	vld [tilespmem:s2+$0x30];
	v13 =	vcvt.f32.s32 v13;
	v1 =	vmin.f32 v2, $1.500000000e+00;
	v2 =	vmax.f32 v3, $-1.500000000e+00  }
0xa6: {  	v11 =	vtrunc.f32 v11;
	v10 =	vcvt.f32.s32 v10;
	v63 =	vmin.f32 v2, $1.500000000e+00  }
0xa7: {  	v8 =	vld [tilespmem:s2+$0x40];
	[tilespmem:$0x1FF00] =	vst v1;
	v2 =	vmax.f32 v4, $-1.500000000e+00;
	v14 =	vtrunc.f32 v14;
	v11 =	vcvt.f32.s32 v11  }
0xa8: {  	v3 =	vld [tilespmem:s2+$0x50];
	vm0 =	vlt.s32 v13, $0x62;
	v18 =	vmin.f32 v2, $1.500000000e+00;
	v2 =	vmax.f32 v7, $-1.500000000e+00  }
0xa9: {  	v4 =	vld [tilespmem:s2+$0x60];
	v14 =	vcvt.f32.s32 v14;
	vm13 =	vlt.s32 v10, $0x62;
	v7 =	vnsel vm0, $0x62, v13  }
0xaa: {  	v13 =	vmul.f32 $3.300000000e+01, v38;
	v16 =	vmin.f32 v2, $1.500000000e+00;
	v2 =	vmax.f32 v12, $-1.500000000e+00  }
0xab: {  	v15 =	vld [tilespmem:s2+$0xFFFFFF80];
	v12 =	vmul.f32 $3.300000000e+01, v0;
	vm1 =	vlt.s32 v11, $0x62;
	v42 =	vnsel vm13, $0x62, v10  }
0xac: {  	v22 =	vmin.f32 v2, $1.500000000e+00;
	v2 =	vmax.f32 v8, $-1.500000000e+00;
	v8 =	vmul.f32 $3.300000000e+01, v61  }
0xad: {  	v20 =	vmin.f32 v2, $1.500000000e+00;
	v23 =	vmul.f32 $3.300000000e+01, v22;
	v2 =	vmax.f32 v3, $-1.500000000e+00  }
0xae: {  	v13 =	vadd.f32 $4.950000000e+01, v13;
	v21 =	vmin.f32 v2, $1.500000000e+00;
	v2 =	vmax.f32 v4, $-1.500000000e+00  }
0xaf: {  	v24 =	vmul.f32 $3.300000000e+01, v20;
	v3 =	vmul.f32 $3.300000000e+01, v1;
	v1 =	vmin.f32 v2, $1.500000000e+00;
	v2 =	vld.idx.msk [tilespmem:v7+s19+$0x0], $0xffff;
	[tilespmem:$0x1FE60] =	vst v18  }
0xb0: {  	v12 =	vadd.f32 $4.950000000e+01, v12;
	v13 =	vtrunc.f32 v13;
	v4 =	vmax.f32 v15, $-1.500000000e+00;
	[tilespmem:$0x1FE70] =	vst v16  }
0xb1: {  	v15 =	vmul.f32 $3.300000000e+01, v63;
	v56 =	vadd.f32 $4.950000000e+01, v24;
	v13 =	vcvt.f32.s32 v13;
	[tilespmem:$0x1FE80] =	vst v22  }
0xb2: {  	v17 =	vmin.f32 v4, $1.500000000e+00;
	v4 =	vmul.f32 $3.300000000e+01, v18;
	v18 =	vmul.f32 $3.300000000e+01, v16;
	[tilespmem:$0x1FE90] =	vst v20  }
0xb3: {  	[tilespmem:$0x1FEA0] =	vst v21;
	v25 =	vmul.f32 $3.300000000e+01, v21;
	v3 =	vadd.f32 $4.950000000e+01, v3;
	v19 =	vmul.f32 $3.300000000e+01, v17  }
0xb4: {  	[tilespmem:$0x1FEB0] =	vst v1;
	v26 =	vmul.f32 $3.300000000e+01, v1;
	v15 =	vadd.f32 $4.950000000e+01, v15;
	vm3 =	vlt.s32 v13, $0x62  }
0xb5: {  	v4 =	vadd.f32 $4.950000000e+01, v4;
	v18 =	vadd.f32 $4.950000000e+01, v18;
	v7 =	vld.idx.msk [tilespmem:v7+s18+$0x0], $0xffff;
	v3 =	vtrunc.f32 v3  }
0xb6: {  	s6 =	simm.s32 $0x380;
	v27 =	vld.idx.msk [tilespmem:v42+s19+$0x0], $0xffff;
	v19 =	vadd.f32 $4.950000000e+01, v19;
	v15 =	vtrunc.f32 v15;
	v3 =	vcvt.f32.s32 v3  }
0xb7: {  	v24 =	vadd.f32 $4.950000000e+01, v25;
	v29 =	vld [tilespmem:s6+$0xFFFFFF90];
	v4 =	vtrunc.f32 v4;
	v10 =	vcvt.f32.s32 v15  }
0xb8: {  	v30 =	vld [tilespmem:s6+$0xFFFFFFA0];
	v15 =	vnsel vm1, $0x62, v11;
	v2 =	vmul.f32 v9, v2;
	v9 =	vtrunc.f32 v19  }
0xb9: {  	v31 =	vld [tilespmem:s6+$0xFFFFFFB0];
	v25 =	vadd.f32 $4.950000000e+01, v26;
	v18 =	vtrunc.f32 v18;
	v9 =	vcvt.f32.s32 v9  }
0xba: {  	v26 =	vld [tilespmem:s6+$0x70];
	v19 =	vadd.f32 $4.950000000e+01, v23;
	v11 =	vcvt.f32.s32 v18;
	vm6 =	vlt.s32 v3, $0x62  }
0xbb: {  	vm7 =	vlt.s32 v10, $0x62;
	v5 =	vmul.f32 v5, v27;
	v27 =	vld [tilespmem:s6+$0xFFFFFFE0];
	vm12 =	vlt.s32 v9, $0x62  }
0xbc: {  	v19 =	vtrunc.f32 v19;
	v58 =	vmax.f32 v29, $-1.500000000e+00;
	v29 =	vld [tilespmem:s6+$0xFFFFFFF0];
	v41 =	vnsel vm12, $0x62, v9  }
0xbd: {  	v21 =	vadd.f32 v2, v7;
	v7 =	vtrunc.f32 v25;
	v18 =	vcvt.f32.s32 v19;
	v28 =	vld.idx.msk [tilespmem:v15+s19+$0x0], $0xffff  }
0xbe: {  	v25 =	vcvt.f32.s32 v4;
	v59 =	vmax.f32 v30, $-1.500000000e+00;
	v30 =	vld [tilespmem:s6+$0x0];
	v9 =	vnsel vm3, $0x62, v13  }
0xbf: {  	v13 =	vnsel vm6, $0x62, v3;
	v3 =	vmax.f32 v26, $-1.500000000e+00;
	v26 =	vld [tilespmem:s6+$0xFFFFFFC0];
	vm10 =	vlt.s32 v18, $0x62  }
0xc0: {  	v4 =	vcvt.f32.s32 v7;
	v7 =	vnsel vm7, $0x62, v10;
	v10 =	vnsel vm10, $0x62, v18;
	v18 =	vld [tilespmem:s6+$0xFFFFFFD0]  }
0xc1: {  	v8 =	vadd.f32 $4.950000000e+01, v8;
	v12 =	vtrunc.f32 v12;
	v1 =	vmin.f32 v59, $1.500000000e+00;
	v57 =	vld.idx.msk [tilespmem:v41+s19+$0x0], $0xffff  }
0xc2: {  	v12 =	vcvt.f32.s32 v12;
	v6 =	vmul.f32 v6, v28;
	v28 =	vmax.f32 v31, $-1.500000000e+00;
	v31 =	vld [tilespmem:s6+$0x10];
	[tilespmem:$0x1FEC0] =	vst v1  }
0xc3: {  	vm2 =	vlt.s32 v14, $0x62;
	v23 =	vtrunc.f32 v56;
	v33 =	vld [tilespmem:s6+$0x20]  }
0xc4: {  	v8 =	vtrunc.f32 v8;
	vm4 =	vlt.s32 v12, $0x62;
	v19 =	vcvt.f32.s32 v23;
	v34 =	vld [tilespmem:s6+$0x30]  }
0xc5: {  	v2 =	vtrunc.f32 v24;
	v24 =	vcvt.f32.s32 v8;
	v8 =	vnsel vm4, $0x62, v12;
	v35 =	vld [tilespmem:s6+$0x50]  }
0xc6: {  	v43 =	vnsel vm2, $0x62, v14;
	vm11 =	vlt.s32 v19, $0x62;
	v44 =	vmin.f32 v3, $1.500000000e+00;
	v36 =	vld [tilespmem:s6+$0xFFFFFF80]  }
0xc7: {  	vm9 =	vlt.s32 v11, $0x62;
	v3 =	vnsel vm11, $0x62, v19;
	v19 =	vmul.f32 $3.300000000e+01, v44;
	v37 =	vld [tilespmem:s6+$0x60]  }
0xc8: {  	v2 =	vcvt.f32.s32 v2;
	v11 =	vnsel vm9, $0x62, v11;
	vm5 =	vlt.s32 v24, $0x62;
	v41 =	vld.idx.msk [tilespmem:v41+s18+$0x0], $0xffff  }
0xc9: {  	vm8 =	vlt.s32 v25, $0x62;
	v46 =	vmul.f32 $3.300000000e+01, v1;
	v19 =	vadd.f32 $4.950000000e+01, v19;
	v42 =	vld.idx.msk [tilespmem:v42+s18+$0x0], $0xffff  }
0xca: {  	vm14 =	vlt.s32 v2, $0x62;
	vm15 =	vlt.s32 v4, $0x62;
	v14 =	vnsel vm5, $0x62, v24;
	v59 =	vld.idx.msk [tilespmem:v8+s19+$0x0], $0xffff  }
0xcb: {  	v12 =	vnsel vm8, $0x62, v25;
	v25 =	vmin.f32 v58, $1.500000000e+00;
	v19 =	vtrunc.f32 v19;
	v20 =	vld.idx.msk [tilespmem:v13+s19+$0x0], $0xffff  }
0xcc: {  	v45 =	vmul.f32 $3.300000000e+01, v25;
	v46 =	vadd.f32 $4.950000000e+01, v46;
	v62 =	vld.idx.msk [tilespmem:v15+s18+$0x0], $0xffff;
	v19 =	vcvt.f32.s32 v19  }
0xcd: {  	v2 =	vnsel vm14, $0x62, v2;
	v24 =	vmin.f32 v28, $1.500000000e+00;
	v8 =	vld.idx.msk [tilespmem:v8+s18+$0x0], $0xffff;
	v18 =	vmax.f32 v18, $-1.500000000e+00  }
0xce: {  	v28 =	vmax.f32 v27, $-1.500000000e+00;
	v27 =	vmin.f32 v18, $1.500000000e+00;
	v18 =	vld [tilespmem:s6+$0x40];
	vm12 =	vlt.s32 v19, $0x62  }
0xcf: {  	v29 =	vmax.f32 v29, $-1.500000000e+00;
	v17 =	vmul.f32 v17, v57;
	v19 =	vnsel vm12, $0x62, v19;
	v57 =	vld.idx.msk [tilespmem:v43+s19+$0x0], $0xffff  }
0xd0: {  	v30 =	vmax.f32 v30, $-1.500000000e+00;
	v29 =	vmin.f32 v29, $1.500000000e+00;
	v46 =	vtrunc.f32 v46;
	v43 =	vld.idx.msk [tilespmem:v43+s18+$0x0], $0xffff  }
0xd1: {  	v1 =	vmin.f32 v30, $1.500000000e+00;
	v31 =	vmax.f32 v31, $-1.500000000e+00;
	v22 =	vadd.f32 v5, v42;
	v5 =	vld.idx.msk [tilespmem:v14+s19+$0x0], $0xffff  }
0xd2: {  	v30 =	vmin.f32 v31, $1.500000000e+00;
	v31 =	vmax.f32 v33, $-1.500000000e+00;
	v15 =	vmul.f32 v0, v59;
	v59 =	vld.idx.msk [tilespmem:v12+s19+$0x0], $0xffff  }
0xd3: {  	v26 =	vmax.f32 v26, $-1.500000000e+00;
	v33 =	vmovc v1;
	v12 =	vld.idx.msk [tilespmem:v12+s18+$0x0], $0xffff;
	v1 =	vmin.f32 v31, $1.500000000e+00;
	v31 =	vmax.f32 v34, $-1.500000000e+00  }
0xd4: {  	v26 =	vmin.f32 v26, $1.500000000e+00;
	v32 =	vmin.f32 v31, $1.500000000e+00;
	v18 =	vmax.f32 v18, $-1.500000000e+00;
	v51 =	vld.idx.msk [tilespmem:v19+s19+$0x0], $0xffff  }
0xd5: {  	v31 =	vmin.f32 v18, $1.500000000e+00;
	v18 =	vmax.f32 v35, $-1.500000000e+00;
	v39 =	vmul.f32 v39, v57;
	v57 =	vld.idx.msk [tilespmem:v7+s19+$0x0], $0xffff  }
0xd6: {  	v47 =	vmul.f32 $3.300000000e+01, v24;
	v35 =	vmin.f32 v18, $1.500000000e+00;
	v18 =	vmax.f32 v36, $-1.500000000e+00;
	v7 =	vld.idx.msk [tilespmem:v7+s18+$0x0], $0xffff  }
0xd7: {  	v48 =	vmul.f32 $3.300000000e+01, v26;
	v60 =	vmax.f32 v37, $-1.500000000e+00;
	v37 =	vmin.f32 v18, $1.500000000e+00;
	v18 =	vld.idx.msk [tilespmem:v19+s18+$0x0], $0xffff  }
0xd8: {  	v36 =	vmin.f32 v60, $1.500000000e+00;
	v58 =	vmul.f32 $3.300000000e+01, v35;
	v0 =	vmul.f32 v61, v5;
	v61 =	vld.idx.msk [tilespmem:v3+s19+$0x0], $0xffff  }
0xd9: {  	v28 =	vmin.f32 v28, $1.500000000e+00;
	v60 =	vmul.f32 $3.300000000e+01, v36;
	v3 =	vld.idx.msk [tilespmem:v3+s18+$0x0], $0xffff;
	v54 =	vmul.f32 $3.300000000e+01, v37  }
0xda: {  	v50 =	vmul.f32 $3.300000000e+01, v28;
	v49 =	vmul.f32 $3.300000000e+01, v27;
	v23 =	vadd.f32 $4.950000000e+01, v58;
	v58 =	vld.idx.msk [tilespmem:v11+s19+$0x0], $0xffff  }
0xdb: {  	v53 =	vmul.f32 $3.300000000e+01, v33;
	v5 =	vadd.f32 $4.950000000e+01, v60;
	v60 =	vld.idx.msk [tilespmem:v10+s19+$0x0], $0xffff;
	v54 =	vadd.f32 $4.950000000e+01, v54  }
0xdc: {  	v49 =	vadd.f32 $4.950000000e+01, v49;
	v55 =	vmul.f32 $3.300000000e+01, v1;
	v56 =	vmul.f32 $3.300000000e+01, v32;
	v11 =	vld.idx.msk [tilespmem:v11+s18+$0x0], $0xffff  }
0xdd: {  	v53 =	vadd.f32 $4.950000000e+01, v53;
	v10 =	vld.idx.msk [tilespmem:v10+s18+$0x0], $0xffff;
	v44 =	vmul.f32 v44, v51;
	v42 =	vtrunc.f32 v54  }
0xde: {  	v54 =	vadd.f32 $4.950000000e+01, v55;
	v55 =	vtrunc.f32 v49;
	v49 =	vadd.f32 v6, v62;
	v6 =	vld.idx.msk [tilespmem:v13+s18+$0x0], $0xffff  }
0xdf: {  	v19 =	vmul.f32 $3.300000000e+01, v30;
	v56 =	vadd.f32 $4.950000000e+01, v56;
	v40 =	vadd.f32 v44, v18;
	v44 =	vld.idx.msk [tilespmem:v9+s19+$0x0], $0xffff  }
0xe0: {  	v45 =	vadd.f32 $4.950000000e+01, v45;
	v34 =	vmovc v1;
	v1 =	vtrunc.f32 v53;
	v9 =	vld.idx.msk [tilespmem:v9+s18+$0x0], $0xffff;
	v53 =	vtrunc.f32 v54  }
0xe1: {  	v47 =	vadd.f32 $4.950000000e+01, v47;
	v54 =	vtrunc.f32 v56;
	v56 =	vtrunc.f32 v5;
	v5 =	vld.idx.msk [tilespmem:v14+s18+$0x0], $0xffff;
	[tilespmem:$0x1FED0] =	vst v3  }
0xe2: {  	v52 =	vmul.f32 $3.300000000e+01, v29;
	v48 =	vadd.f32 $4.950000000e+01, v48;
	v50 =	vadd.f32 $4.950000000e+01, v50;
	v3 =	vld.idx.msk [tilespmem:v2+s19+$0x0], $0xffff  }
0xe3: {  	v45 =	vtrunc.f32 v45;
	v47 =	vtrunc.f32 v47;
	v19 =	vadd.f32 $4.950000000e+01, v19;
	v2 =	vld.idx.msk [tilespmem:v2+s18+$0x0], $0xffff  }
0xe4: {  	v48 =	vtrunc.f32 v48;
	v50 =	vtrunc.f32 v50;
	v18 =	vnsel vm15, $0x62, v4  }
0xe5: {  	v51 =	vmul.f32 $3.300000000e+01, v31;
	v19 =	vtrunc.f32 v19  }
0xe6: {  	v62 =	vadd.f32 v39, v43;
	v39 =	vtrunc.f32 v23;
	v13 =	vcvt.f32.s32 v50  }
0xe7: {  	v52 =	vadd.f32 $4.950000000e+01, v52;
	v23 =	vcvt.f32.s32 v1;
	v19 =	vcvt.f32.s32 v19  }
0xe8: {  	v41 =	vadd.f32 v17, v41;
	v42 =	vcvt.f32.s32 v42;
	v4 =	vcvt.f32.s32 v46;
	[tilespmem:$0x1FEE0] =	vst v2  }
0xe9: {  	v46 =	vcvt.f32.s32 v47;
	v39 =	vcvt.f32.s32 v39;
	vm6 =	vlt.s32 v13, $0x62;
	v2 =	vld.idx.msk [tilespmem:v18+s18+$0x0], $0xffff  }
0xea: {  	vm8 =	vlt.s32 v23, $0x62;
	vm0 =	vlt.s32 v19, $0x62;
	vm13 =	vlt.s32 v42, $0x62  }
0xeb: {  	vm15 =	vlt.s32 v4, $0x62;
	vm3 =	vlt.s32 v46, $0x62;
	v16 =	vcvt.f32.s32 v53  }
0xec: {  	s31 =	simm.s32 $0x8280;
	v14 =	vcvt.f32.s32 v54;
	v17 =	vmul.f32 v38, v44;
	v38 =	vadd.f32 $4.950000000e+01, v51  }
0xed: {  	v1 =	vcvt.f32.s32 v56;
	v43 =	vnsel vm0, $0x62, v19;
	v56 =	vnsel vm13, $0x62, v42;
	[tilespmem:s31+$0x70] =	vst v21  }
0xee: {  	s0 =	simm.s32 $0x8380;
	v54 =	vnsel vm15, $0x62, v4;
	v51 =	vcvt.f32.s32 v45;
	v38 =	vtrunc.f32 v38;
	v4 =	vld.idx.msk [tilespmem:v18+s19+$0x0], $0xffff;
	[tilespmem:$0x1FEF0] =	vst v2  }
0xef: {  	vm9 =	vlt.s32 v16, $0x62;
	vm15 =	vlt.s32 v1, $0x62;
	v38 =	vcvt.f32.s32 v38;
	[tilespmem:s0+$0x70] =	vst v40  }
0xf0: {  	v44 =	vtrunc.f32 v52;
	v52 =	vcvt.f32.s32 v48;
	vm14 =	vlt.s32 v51, $0x62;
	[tilespmem:s31+$0xFFFFFF80] =	vst v41  }
0xf1: {  	v48 =	vcvt.f32.s32 v55;
	v55 =	vnsel vm14, $0x62, v51;
	vm13 =	vlt.s32 v38, $0x62;
	[tilespmem:s31+$0xFFFFFF90] =	vst v22  }
0xf2: {  	v44 =	vcvt.f32.s32 v44;
	v40 =	vnsel vm13, $0x62, v38;
	v38 =	vnsel vm15, $0x62, v1;
	v1 =	vld [tilespmem:$0x1FF00]  }
0xf3: {  	v53 =	vnsel vm3, $0x62, v46;
	vm12 =	vlt.s32 v14, $0x62;
	v42 =	vnsel vm9, $0x62, v16  }
0xf4: {  	vm4 =	vlt.s32 v52, $0x62;
	vm5 =	vlt.s32 v48, $0x62;
	vm7 =	vlt.s32 v44, $0x62  }
0xf5: {  	vm14 =	vlt.s32 v39, $0x62;
	v52 =	vnsel vm4, $0x62, v52;
	v51 =	vnsel vm5, $0x62, v48;
	v19 =	vld.idx.msk [tilespmem:v56+s19+$0x0], $0xffff  }
0xf6: {  	s28 =	sshll.u32 s26, $0xF;
	s30 =	simm.s32 $0x8380;
	v48 =	vnsel vm6, $0x62, v13;
	v46 =	vnsel vm7, $0x62, v44;
	v44 =	vnsel vm8, $0x62, v23;
	v2 =	vld.idx.msk [tilespmem:v55+s19+$0x0], $0xffff  }
0xf7: {  	s29 =	sor.u32 s5, s28;
	s2 =	simm.s32 $0x10;
	s6 =	simm.s32 $0x480;
	v39 =	vnsel vm14, $0x62, v39;
	v41 =	vnsel vm12, $0x62, v14;
	v13 =	vld.idx.msk [tilespmem:v54+s19+$0x0], $0xffff;
	v1 =	vmul.f32 v1, v20  }
.LBB2_3:
0xf8: {  	v0 =	vadd.f32 v0, v5;
	v5 =	vld [tilespmem:$0x1FE90]  }
0xf9: {  	v9 =	vadd.f32 v17, v9;
	v17 =	vld [tilespmem:$0x1FE60];
	v15 =	vadd.f32 v15, v8  }
0xfa: {  	v8 =	vld [tilespmem:$0x1FE70]  }
0xfb: {  	[tilespmem:s31+$0xFFFFFFD0] =	vst v15;
	v15 =	vadd.f32 v1, v6;
	v6 =	vld [tilespmem:$0x1FEB0]  }
0xfc: {  	v14 =	vld [tilespmem:s6+$0x70];
	_ =	sdelay $0x1  }
0xfd: {  	[tilespmem:s31+$0xFFFFFFA0] =	vst v49;
	v16 =	vmul.f32 v63, v57  }
0xfe: {  	[tilespmem:s31+$0xFFFFFFE0] =	vst v0;
	v18 =	vmul.f32 v17, v59;
	v49 =	vmul.f32 v8, v58;
	v8 =	vld [tilespmem:$0x1FE80]  }
0xff: {  	[tilespmem:s31+$0xFFFFFFC0] =	vst v9;
	v0 =	vadd.f32 v16, v7;
	v17 =	vmul.f32 v5, v61;
	v5 =	vld [tilespmem:$0x1FEA0];
	v9 =	vmul.f32 v6, v4  }
0x100: {  	v6 =	vmul.f32 v25, v2;
	v2 =	vadd.f32 v18, v12;
	v12 =	vmax.f32 v14, $-1.500000000e+00;
	v14 =	vld [tilespmem:$0x1FEC0]  }
0x101: {  	v21 =	vld [tilespmem:s6+$0xFFFFFF90];
	[tilespmem:s31+$0xFFFFFFB0] =	vst v62;
	v1 =	vmov v26  }
0x102: {  	v50 =	vld [tilespmem:s6+$0xFFFFFFA0];
	[tilespmem:$0x1FE10] =	vst v1  }
0x103: {  	v7 =	vld [tilespmem:s6+$0xFFFFFFD0];
	[tilespmem:s31+$0xFFFFFFF0] =	vst v15  }
0x104: {  	[tilespmem:s31+$0x0] =	vst v0;
	v0 =	vmov v27;
	v22 =	vmul.f32 v8, v60;
	v8 =	vmul.f32 v5, v3;
	v3 =	vld [tilespmem:s6+$0xFFFFFFB0]  }
0x105: {  	v4 =	vld [tilespmem:s6+$0xFFFFFFC0];
	[tilespmem:$0x1FE30] =	vst v0;
	v13 =	vmul.f32 v14, v13  }
0x106: {  	v15 =	vld [tilespmem:s6+$0xFFFFFFF0];
	v11 =	vadd.f32 v49, v11;
	[tilespmem:s31+$0x10] =	vst v2  }
0x107: {  	v1 =	vmax.f32 v21, $-1.500000000e+00;
	v12 =	vmin.f32 v12, $1.500000000e+00;
	v0 =	vmov v28;
	[tilespmem:$0x1FDF0] =	vst v13;
	v13 =	vld [tilespmem:s6+$0xFFFFFFE0]  }
0x108: {  	v62 =	vmin.f32 v1, $1.500000000e+00;
	[tilespmem:s31+$0x20] =	vst v11;
	v5 =	vmul.f32 v37, v19;
	v60 =	vmul.f32 $3.300000000e+01, v12;
	v11 =	vld [tilespmem:s6+$0x10]  }
0x109: {  	v10 =	vadd.f32 v22, v10;
	v14 =	vmax.f32 v50, $-1.500000000e+00;
	v2 =	vmax.f32 v3, $-1.500000000e+00;
	v3 =	vld [tilespmem:s6+$0x0]  }
0x10a: {  	[tilespmem:$0x1FE40] =	vst v0;
	v0 =	vmovc v29;
	v4 =	vmax.f32 v4, $-1.500000000e+00;
	v29 =	vld [tilespmem:$0x1FED0];
	v18 =	vmin.f32 v14, $1.500000000e+00;
	v14 =	vadd.f32 $4.950000000e+01, v60  }
0x10b: {  	v19 =	vmul.f32 $3.300000000e+01, v62;
	v45 =	vmin.f32 v4, $1.500000000e+00;
	v4 =	vmax.f32 v7, $-1.500000000e+00;
	v7 =	vld [tilespmem:s6+$0x20];
	[tilespmem:s31+$0x30] =	vst v10  }
0x10c: {  	v47 =	vmin.f32 v4, $1.500000000e+00;
	v14 =	vtrunc.f32 v14;
	v4 =	vmax.f32 v13, $-1.500000000e+00;
	v13 =	vld [tilespmem:s6+$0x30]  }
0x10d: {  	v16 =	vmovc v32;
	v14 =	vcvt.f32.s32 v14;
	v50 =	vmin.f32 v4, $1.500000000e+00;
	v4 =	vmax.f32 v15, $-1.500000000e+00;
	v15 =	vld [tilespmem:s6+$0x40]  }
0x10e: {  	[tilespmem:$0x1FE80] =	vst v16;
	v10 =	vmul.f32 $3.300000000e+01, v18;
	v3 =	vmax.f32 v3, $-1.500000000e+00;
	v16 =	vmin.f32 v4, $1.500000000e+00;
	v4 =	vld [tilespmem:s6+$0x50]  }
0x10f: {  	[tilespmem:$0x1FE50] =	vst v0;
	v0 =	vmovc v33;
	vm0 =	vlt.s32 v14, $0x62;
	v33 =	vmin.f32 v3, $1.500000000e+00;
	v3 =	vmax.f32 v11, $-1.500000000e+00;
	v11 =	vld [tilespmem:s6+$0x60]  }
0x110: {  	v55 =	vld.idx.msk [tilespmem:v55+s18+$0x0], $0xffff;
	v61 =	vmovc v30;
	v30 =	vmin.f32 v3, $1.500000000e+00;
	v3 =	vmax.f32 v7, $-1.500000000e+00;
	v7 =	vnsel vm0, $0x62, v14  }
0x111: {  	v20 =	vmovc v34;
	v57 =	vld.idx.msk [tilespmem:v44+s19+$0x0], $0xffff;
	[tilespmem:$0x1FE60] =	vst v61;
	v61 =	vmul.f32 $3.300000000e+01, v47;
	v34 =	vmin.f32 v3, $1.500000000e+00;
	v3 =	vmax.f32 v13, $-1.500000000e+00  }
0x112: {  	[tilespmem:$0x1FEC0] =	vst v18;
	v18 =	vld [tilespmem:s6+$0xFFFFFF80];
	v49 =	vmin.f32 v2, $1.500000000e+00;
	v32 =	vmin.f32 v3, $1.500000000e+00;
	v3 =	vmax.f32 v15, $-1.500000000e+00  }
0x113: {  	v27 =	vadd.f32 $4.950000000e+01, v61;
	v61 =	vld.idx.msk [tilespmem:v40+s19+$0x0], $0xffff;
	v2 =	vmovc v31;
	v31 =	vmin.f32 v3, $1.500000000e+00;
	v3 =	vmax.f32 v4, $-1.500000000e+00  }
0x114: {  	v1 =	vmovc v35;
	v17 =	vadd.f32 v17, v29;
	v29 =	vld [tilespmem:$0x1FEE0];
	v35 =	vmin.f32 v3, $1.500000000e+00;
	v3 =	vmax.f32 v11, $-1.500000000e+00  }
0x115: {  	v19 =	vadd.f32 $4.950000000e+01, v19;
	[tilespmem:$0x1FE00] =	vst v0;
	v0 =	vmov v36;
	v36 =	vmin.f32 v3, $1.500000000e+00;
	v3 =	vld.idx.msk [tilespmem:v7+s19+$0x0], $0xffff  }
0x116: {  	[tilespmem:s31+$0x40] =	vst v17;
	v17 =	vld [tilespmem:$0x1FEF0]  }
0x117: {  	v60 =	vmul.f32 $3.300000000e+01, v45;
	v19 =	vtrunc.f32 v19;
	v10 =	vadd.f32 $4.950000000e+01, v10;
	v7 =	vld.idx.msk [tilespmem:v7+s18+$0x0], $0xffff  }
0x118: {  	v59 =	vld.idx.msk [tilespmem:v43+s19+$0x0], $0xffff;
	v19 =	vcvt.f32.s32 v19  }
0x119: {  	v26 =	vadd.f32 $4.950000000e+01, v60;
	v60 =	vld.idx.msk [tilespmem:v41+s19+$0x0], $0xffff;
	v58 =	vmul.f32 $3.300000000e+01, v49;
	v10 =	vtrunc.f32 v10  }
0x11a: {  	[tilespmem:$0x1FEB0] =	vst v0;
	v0 =	vld.idx.msk [tilespmem:v52+s19+$0x0], $0xffff;
	v8 =	vadd.f32 v8, v29;
	v11 =	vmax.f32 v18, $-1.500000000e+00;
	v3 =	vmul.f32 v12, v3  }
0x11b: {  	[tilespmem:$0x1FEA0] =	vst v1;
	v14 =	vld.idx.msk [tilespmem:v48+s19+$0x0], $0xffff;
	v17 =	vadd.f32 v9, v17;
	v4 =	vmul.f32 $3.300000000e+01, v16;
	v37 =	vmin.f32 v11, $1.500000000e+00  }
0x11c: {  	[tilespmem:$0x1FE90] =	vst v2;
	v29 =	vld.idx.msk [tilespmem:v53+s18+$0x0], $0xffff;
	v1 =	vmul.f32 $3.300000000e+01, v35;
	v63 =	vmul.f32 $3.300000000e+01, v37;
	v7 =	vadd.f32 v3, v7  }
0x11d: {  	s0 =	sadd.s32 $0x100, s0;
	v26 =	vtrunc.f32 v26;
	v27 =	vtrunc.f32 v27;
	v28 =	vadd.f32 $4.950000000e+01, v4;
	v4 =	vld.idx.msk [tilespmem:v38+s19+$0x0], $0xffff;
	[tilespmem:s31+$0x60] =	vst v17  }
0x11e: {  	v26 =	vcvt.f32.s32 v26;
	v2 =	vmovc v24;
	v1 =	vadd.f32 $4.950000000e+01, v1;
	v24 =	vadd.f32 $4.950000000e+01, v63;
	[tilespmem:s0+$0x70] =	vst v7;
	v7 =	vld.idx.msk [tilespmem:v56+s18+$0x0], $0xffff  }
0x11f: {  	v27 =	vcvt.f32.s32 v27;
	[tilespmem:$0x1FE20] =	vst v0;
	v0 =	vmul.f32 $3.300000000e+01, v31;
	v63 =	vadd.f32 $4.950000000e+01, v58;
	v56 =	vld.idx.msk [tilespmem:v38+s18+$0x0], $0xffff  }
0x120: {  	v13 =	vld.idx.msk [tilespmem:v53+s19+$0x0], $0xffff;
	v1 =	vtrunc.f32 v1;
	v12 =	vtrunc.f32 v24  }
0x121: {  	v24 =	vtrunc.f32 v63;
	v63 =	vld.idx.msk [tilespmem:v54+s18+$0x0], $0xffff;
	v17 =	vcvt.f32.s32 v12  }
0x122: {  	[tilespmem:$0x1FE70] =	vst v20;
	v20 =	vmul.f32 $3.300000000e+01, v50;
	v0 =	vadd.f32 $4.950000000e+01, v0;
	v1 =	vcvt.f32.s32 v1;
	v3 =	vld.idx.msk [tilespmem:v39+s19+$0x0], $0xffff  }
0x123: {  	[tilespmem:s31+$0x50] =	vst v8;
	vm0 =	vlt.s32 v17, $0x62;
	v7 =	vadd.f32 v5, v7;
	v5 =	vld.idx.msk [tilespmem:v48+s18+$0x0], $0xffff;
	v48 =	vcvt.f32.s32 v10  }
0x124: {  	v10 =	vadd.f32 v6, v55;
	v55 =	vld.idx.msk [tilespmem:v39+s18+$0x0], $0xffff;
	[tilespmem:$0x1FEF0] =	vst v56;
	v56 =	vnsel vm0, $0x62, v17;
	vm0 =	vlt.s32 v1, $0x62  }
0x125: {  	v21 =	vmul.f32 $3.300000000e+01, v33;
	v0 =	vtrunc.f32 v0;
	v39 =	vnsel vm0, $0x62, v1;
	v1 =	vld [tilespmem:$0x1FDF0]  }
0x126: {  	v15 =	vld.idx.msk [tilespmem:v51+s19+$0x0], $0xffff;
	v0 =	vcvt.f32.s32 v0;
	v24 =	vcvt.f32.s32 v24  }
0x127: {  	v20 =	vadd.f32 $4.950000000e+01, v20;
	v22 =	vmul.f32 $3.300000000e+01, v34;
	v21 =	vadd.f32 $4.950000000e+01, v21;
	v9 =	vld.idx.msk [tilespmem:v52+s18+$0x0], $0xffff  }
0x128: {  	v11 =	vmul.f32 $3.300000000e+01, v30;
	v25 =	vmul.f32 $3.300000000e+01, v36;
	v54 =	vld.idx.msk [tilespmem:v40+s18+$0x0], $0xffff;
	vm12 =	vlt.s32 v0, $0x62  }
0x129: {  	v40 =	vnsel vm12, $0x62, v0;
	v0 =	vmul.f32 v2, v13;
	v13 =	vld [tilespmem:$0x1FE20];
	vm3 =	vlt.s32 v24, $0x62  }
0x12a: {  	v25 =	vadd.f32 $4.950000000e+01, v25;
	v53 =	vnsel vm3, $0x62, v24;
	v24 =	vmovc v49;
	v49 =	vadd.f32 v1, v63;
	v1 =	vld [tilespmem:$0x1FE10]  }
0x12b: {  	v20 =	vtrunc.f32 v20;
	v23 =	vmul.f32 $3.300000000e+01, v32;
	v18 =	vld.idx.msk [tilespmem:v46+s19+$0x0], $0xffff;
	v11 =	vadd.f32 $4.950000000e+01, v11  }
0x12c: {  	vm1 =	vlt.s32 v19, $0x62;
	v21 =	vtrunc.f32 v21;
	v58 =	vld.idx.msk [tilespmem:v42+s19+$0x0], $0xffff;
	v25 =	vtrunc.f32 v25  }
0x12d: {  	vm4 =	vlt.s32 v26, $0x62;
	v11 =	vtrunc.f32 v11;
	v12 =	vld.idx.msk [tilespmem:v43+s18+$0x0], $0xffff;
	v25 =	vcvt.f32.s32 v25  }
0x12e: {  	v22 =	vadd.f32 $4.950000000e+01, v22;
	v20 =	vcvt.f32.s32 v20;
	v43 =	vcvt.f32.s32 v11;
	v11 =	vld.idx.msk [tilespmem:v42+s18+$0x0], $0xffff  }
0x12f: {  	vm5 =	vlt.s32 v27, $0x62;
	v21 =	vcvt.f32.s32 v21;
	v17 =	vmul.f32 v1, v13;
	v1 =	vld [tilespmem:$0x1FE30]  }
0x130: {  	v23 =	vadd.f32 $4.950000000e+01, v23;
	v22 =	vtrunc.f32 v22;
	v8 =	vld.idx.msk [tilespmem:v51+s18+$0x0], $0xffff;
	vm13 =	vlt.s32 v25, $0x62  }
0x131: {  	v22 =	vcvt.f32.s32 v22;
	s31 =	smov.u32 s30;
	v38 =	vnsel vm13, $0x62, v25;
	v25 =	vmovc v62;
	v62 =	vadd.f32 v0, v29;
	v0 =	vld [tilespmem:$0x1FE40]  }
0x132: {  	v52 =	vnsel vm4, $0x62, v26;
	v28 =	vtrunc.f32 v28;
	v23 =	vtrunc.f32 v23;
	v6 =	vld.idx.msk [tilespmem:v46+s18+$0x0], $0xffff;
	[tilespmem:s31+$0xFFFFFF80] =	vst v7  }
0x133: {  	s2 =	sadd.s32 $0x10, s2;
	v28 =	vcvt.f32.s32 v28;
	v7 =	vld.idx.msk [tilespmem:v44+s18+$0x0], $0xffff;
	vm2 =	vlt.s32 v48, $0x62;
	[tilespmem:$0x1FEE0] =	vst v55;
	v55 =	vnsel vm1, $0x62, v19  }
0x134: {  	p1 =	slt.u32 s2, $0x3F0;
	v23 =	vcvt.f32.s32 v23;
	[tilespmem:$0x1FED0] =	vst v54;
	v54 =	vnsel vm2, $0x62, v48;
	v15 =	vmul.f32 v1, v15;
	v1 =	vld [tilespmem:$0x1FE50]  }
.Ltmp2:
0x135: {  	vm6 =	vlt.s32 v20, $0x62;
	vm8 =	vlt.s32 v21, $0x62;
	vm10 =	vlt.s32 v22, $0x62;
	[tilespmem:s31+$0xFFFFFF90] =	vst v10;
	v10 =	vld.idx.msk [tilespmem:v41+s18+$0x0], $0xffff;
	(pc) =	sbr.rel @p1 .LBB2_3-.Ltmp2, $4  }
0x136: {  	vm7 =	vlt.s32 v28, $0x62;
	vm11 =	vlt.s32 v23, $0x62;
	vm9 =	vlt.s32 v43, $0x62;
	v19 =	vld.idx.msk [tilespmem:v56+s19+$0x0], $0xffff  }
0x137: {  	v42 =	vnsel vm10, $0x62, v22;
	v51 =	vnsel vm5, $0x62, v27;
	v43 =	vnsel vm9, $0x62, v43;
	v63 =	vld [tilespmem:$0x1FE00]  }
0x138: {  	v26 =	vmovc v45;
	v27 =	vmovc v47;
	v46 =	vnsel vm7, $0x62, v28;
	v0 =	vmul.f32 v0, v14;
	v44 =	vnsel vm8, $0x62, v21;
	v2 =	vld.idx.msk [tilespmem:v55+s19+$0x0], $0xffff  }
0x139: {  	s6 =	sadd.s32 $0x100, s6;
	s30 =	smov.u32 s0;
	v29 =	vmovc v16;
	v28 =	vmovc v50;
	v41 =	vnsel vm11, $0x62, v23;
	v48 =	vnsel vm6, $0x62, v20;
	v13 =	vld.idx.msk [tilespmem:v54+s19+$0x0], $0xffff;
	v1 =	vmul.f32 v1, v18  }
0x13a: {  	_ =	sdelay $0x3  }
0x13b: {  	v14 =	vld.idx.msk [tilespmem:v53+s19+$0x0], $0xffff  }
0x13c: {  	v16 =	vld.idx.msk [tilespmem:v52+s19+$0x0], $0xffff  }
0x13d: {  	v18 =	vld.idx.msk [tilespmem:v51+s19+$0x0], $0xffff  }
0x13e: {  	v20 =	vld.idx.msk [tilespmem:v48+s19+$0x0], $0xffff  }
0x13f: {  	v21 =	vld.idx.msk [tilespmem:v46+s19+$0x0], $0xffff  }
0x140: {  	v22 =	vld.idx.msk [tilespmem:v44+s19+$0x0], $0xffff  }
0x141: {  	[tilespmem:s31+$0xFFFFFFA0] =	vst v49;
	v9 =	vadd.f32 v17, v9;
	v17 =	vld.idx.msk [tilespmem:v43+s19+$0x0], $0xffff  }
0x142: {  	[tilespmem:s31+$0xFFFFFFB0] =	vst v62;
	v8 =	vadd.f32 v15, v8;
	v0 =	vadd.f32 v0, v5;
	v5 =	vld.idx.msk [tilespmem:v41+s19+$0x0], $0xffff  }
0x143: {  	v49 =	vld.idx.msk [tilespmem:v56+s18+$0x0], $0xffff;
	[tilespmem:s31+$0xFFFFFFC0] =	vst v9  }
0x144: {  	v9 =	vld [tilespmem:$0x1FE60];
	[tilespmem:s31+$0xFFFFFFD0] =	vst v8  }
0x145: {  	v8 =	vld [tilespmem:$0x1FE70]  }
0x146: {  	v56 =	vld.idx.msk [tilespmem:v55+s18+$0x0], $0xffff;
	[tilespmem:s31+$0xFFFFFFE0] =	vst v0  }
0x147: {  	v45 =	vld [tilespmem:$0x1FE80]  }
0x148: {  	v44 =	vld.idx.msk [tilespmem:v44+s18+$0x0], $0xffff;
	v23 =	vmul.f32 v63, v57  }
0x149: {  	v1 =	vadd.f32 v1, v6;
	v6 =	vld.idx.msk [tilespmem:v40+s19+$0x0], $0xffff;
	v9 =	vmul.f32 v9, v59  }
0x14a: {  	v63 =	vadd.f32 v23, v7;
	v7 =	vld.idx.msk [tilespmem:v39+s19+$0x0], $0xffff;
	v8 =	vmul.f32 v8, v58  }
0x14b: {  	[tilespmem:s31+$0xFFFFFFF0] =	vst v1;
	v1 =	vld.idx.msk [tilespmem:v38+s19+$0x0], $0xffff;
	v9 =	vadd.f32 v9, v12  }
0x14c: {  	v47 =	vld [tilespmem:$0x1FE90];
	[tilespmem:s31+$0x0] =	vst v63;
	v23 =	vmul.f32 v45, v60;
	v8 =	vadd.f32 v8, v11  }
0x14d: {  	v50 =	vld [tilespmem:$0x1FEA0];
	[tilespmem:s31+$0x10] =	vst v9  }
0x14e: {  	v10 =	vadd.f32 v23, v10;
	v57 =	vld [tilespmem:$0x1FEB0];
	[tilespmem:s31+$0x20] =	vst v8  }
0x14f: {  	v8 =	vld [tilespmem:$0x1FED0]  }
0x150: {  	v63 =	vld.idx.msk [tilespmem:v51+s18+$0x0], $0xffff;
	[tilespmem:s31+$0x30] =	vst v10  }
0x151: {  	v10 =	vld [tilespmem:$0x1FEE0]  }
0x152: {  	v51 =	vld.idx.msk [tilespmem:v41+s18+$0x0], $0xffff;
	v12 =	vmul.f32 v47, v61  }
0x153: {  	v59 =	vmul.f32 v37, v19;
	v19 =	vld.idx.msk [tilespmem:v48+s18+$0x0], $0xffff  }
0x154: {  	v60 =	vld.idx.msk [tilespmem:v53+s18+$0x0], $0xffff;
	v3 =	vmul.f32 v50, v3;
	v8 =	vadd.f32 v12, v8  }
0x155: {  	v2 =	vmul.f32 v25, v2;
	v61 =	vld.idx.msk [tilespmem:v52+s18+$0x0], $0xffff  }
0x156: {  	v23 =	vmul.f32 v24, v14;
	v24 =	vld.idx.msk [tilespmem:v46+s18+$0x0], $0xffff;
	v3 =	vadd.f32 v3, v10;
	[tilespmem:s31+$0x40] =	vst v8  }
0x157: {  	v0 =	vadd.f32 v59, v49;
	v8 =	vld [tilespmem:$0x1FEF0]  }
0x158: {  	v2 =	vadd.f32 v2, v56;
	v37 =	vmul.f32 v26, v16;
	v62 =	vld [tilespmem:$0x1FEC0];
	[tilespmem:s31+$0x50] =	vst v3  }
0x159: {  	v47 =	vmul.f32 v28, v20;
	v46 =	vld.idx.msk [tilespmem:v43+s18+$0x0], $0xffff;
	v9 =	vadd.f32 v23, v60;
	[tilespmem:s30+$0xFFFFFF80] =	vst v0  }
0x15a: {  	v50 =	vmul.f32 v29, v21;
	v60 =	vld.idx.msk [tilespmem:v38+s18+$0x0], $0xffff;
	v48 =	vadd.f32 v37, v61;
	[tilespmem:s30+$0xFFFFFF90] =	vst v2  }
0x15b: {  	v58 =	vld.idx.msk [tilespmem:v54+s18+$0x0], $0xffff;
	v52 =	vmul.f32 v33, v22;
	v53 =	vadd.f32 v47, v19;
	[tilespmem:s30+$0xFFFFFFB0] =	vst v9  }
0x15c: {  	v55 =	vmul.f32 v30, v17;
	v54 =	vld.idx.msk [tilespmem:v40+s18+$0x0], $0xffff;
	v56 =	vadd.f32 v50, v24;
	[tilespmem:s30+$0xFFFFFFC0] =	vst v48  }
0x15d: {  	v45 =	vmul.f32 v27, v18;
	v1 =	vmul.f32 v36, v1;
	v59 =	vadd.f32 v52, v44;
	[tilespmem:s30+$0xFFFFFFE0] =	vst v53  }
0x15e: {  	v4 =	vmul.f32 v57, v4;
	v57 =	vld.idx.msk [tilespmem:v39+s18+$0x0], $0xffff;
	v10 =	vadd.f32 v55, v46;
	[tilespmem:s30+$0xFFFFFFF0] =	vst v56  }
0x15f: {  	v15 =	vld.idx.msk [tilespmem:v42+s19+$0x0], $0xffff;
	v5 =	vmul.f32 v32, v5;
	v1 =	vadd.f32 v1, v60;
	[tilespmem:s30+$0x0] =	vst v59  }
0x160: {  	v61 =	vmul.f32 v31, v6;
	v2 =	vadd.f32 v45, v63;
	[tilespmem:s30+$0x10] =	vst v10  }
0x161: {  	v49 =	vld.idx.msk [tilespmem:v42+s18+$0x0], $0xffff;
	v63 =	vmul.f32 v35, v7;
	v3 =	vadd.f32 v5, v51;
	[tilespmem:s30+$0x60] =	vst v1  }
0x162: {  	[tilespmem:s30+$0xFFFFFFD0] =	vst v2;
	v2 =	vadd.f32 v61, v54;
	v13 =	vmul.f32 v62, v13  }
0x163: {  	[tilespmem:s30+$0x30] =	vst v3;
	v0 =	vadd.f32 v63, v57  }
0x164: {  	p1 =	sne.s32 s26, $0xF;
	[tilespmem:s30+$0x40] =	vst v2;
	v4 =	vadd.f32 v4, v8;
	v25 =	vadd.f32 v13, v58;
	v58 =	vmul.f32 v34, v15  }
.Ltmp3:
0x165: {  	[tilespmem:s30+$0x50] =	vst v0;
	(pc) =	sbr.rel @p1 .LBB2_6-.Ltmp3, $4  }
0x166: {  	[tilespmem:s31+$0x60] =	vst v4;
	v62 =	vadd.f32 v58, v49  }
0x167: {  	s29 =	sshrl.u32 s29, $0x3;
	[tilespmem:s30+$0xFFFFFFA0] =	vst v25  }
0x168: {  	s0 =	sadd.s32 s3, s29;
	[tilespmem:s30+$0x20] =	vst v62  }
0x169: {  	[hbm4b:s0+s4] =	stream.linear.scatter [tilespmem:s20], [sflag:$0x3], $0x4000, $0x38;
	[tilespmem:$0x10200] =	vst v63  }
.Ltmp4:
0x16a: {  	(pc) =	sbr.rel .LBB2_7-.Ltmp4, $4  }
0x16b: {  	_ = 	snop  }
0x16c: {  	_ =	swait.ge [sflag:s21], $0x4000  }
0x16d: {  	[sflag:s21] =	ssyncset.done $0x0  }
0x16e: {  	[sflag:s21] =	ssyncadd.s32 $0xFFFFC000  }
.LBB2_6:
0x16f: {  	s0 =	sadd.s32 s28, s10  }
0x170: {  	s0 =	sshrl.u32 s0, $0x3  }
.Ltmp5:
0x171: {  	s0 =	sadd.s32 s1, s0;
	(pc) =	sbr.rel @p0 .LBB2_8-.Ltmp5, $4  }
0x172: {  	[tilespmem:s15], [sflag:$0x1] =	stream.linear.gather [hbm4b:s0+s4], $0x4000, $0x38;
	[tilespmem:$0x10200] =	vst v63  }
0x173: {  	_ =	swait.ge [sflag:s21], $0x4000  }
0x174: {  	[sflag:s21] =	ssyncset.done $0x0  }
0x175: {  	[sflag:s21] =	ssyncadd.s32 $0xFFFFC000  }
.LBB2_7:
0x176: {  	_ =	swait.ge [sflag:s22], $0x4000  }
0x177: {  	[sflag:s22] =	ssyncset.done $0x0  }
0x178: {  	[sflag:s22] =	ssyncadd.s32 $0xFFFFC000  }
.LBB2_8:
0x179: {  	s0 =	simm.s32 $0x4280  }
0x17a: {  	v0 =	vld [tilespmem:s0+$0x70]  }
0x17b: {  	v1 =	vld [tilespmem:s0+$0xFFFFFF90]  }
0x17c: {  	v8 =	vld [tilespmem:s0+$0xFFFFFFE0]  }
0x17d: {  	v2 =	vld [tilespmem:s0+$0xFFFFFFA0]  }
0x17e: {  	v3 =	vld [tilespmem:s0+$0xFFFFFFB0]  }
0x17f: {  	v4 =	vld [tilespmem:s0+$0xFFFFFFC0]  }
0x180: {  	v7 =	vld [tilespmem:s0+$0xFFFFFFD0];
	v0 =	vmax.f32 v0, $-1.500000000e+00;
	v1 =	vmax.f32 v1, $-1.500000000e+00  }
0x181: {  	v8 =	vmax.f32 v8, $-1.500000000e+00;
	v9 =	vmin.f32 v0, $1.500000000e+00;
	v5 =	vmin.f32 v1, $1.500000000e+00  }
0x182: {  	v0 =	vmax.f32 v2, $-1.500000000e+00;
	v2 =	vld [tilespmem:s0+$0xFFFFFFF0];
	v61 =	vmin.f32 v8, $1.500000000e+00;
	v1 =	vmul.f32 $3.300000000e+01, v9  }
0x183: {  	v10 =	vmul.f32 $3.300000000e+01, v5;
	v6 =	vmin.f32 v0, $1.500000000e+00;
	v0 =	vmax.f32 v3, $-1.500000000e+00  }
0x184: {  	v3 =	vld [tilespmem:s0+$0x0];
	v39 =	vmin.f32 v0, $1.500000000e+00;
	v0 =	vmax.f32 v4, $-1.500000000e+00;
	v11 =	vmul.f32 $3.300000000e+01, v6  }
0x185: {  	v4 =	vld [tilespmem:s0+$0x10];
	v1 =	vadd.f32 $4.950000000e+01, v1;
	v38 =	vmin.f32 v0, $1.500000000e+00;
	v0 =	vmax.f32 v7, $-1.500000000e+00  }
0x186: {  	v14 =	vmul.f32 $3.300000000e+01, v39;
	v10 =	vadd.f32 $4.950000000e+01, v10;
	v0 =	vmin.f32 v0, $1.500000000e+00  }
0x187: {  	v7 =	vld [tilespmem:s0+$0x20];
	v11 =	vadd.f32 $4.950000000e+01, v11;
	v13 =	vtrunc.f32 v1;
	v2 =	vmax.f32 v2, $-1.500000000e+00  }
0x188: {  	v14 =	vadd.f32 $4.950000000e+01, v14;
	v10 =	vtrunc.f32 v10;
	v13 =	vcvt.f32.s32 v13  }
0x189: {  	v12 =	vld [tilespmem:s0+$0x30];
	v1 =	vmin.f32 v2, $1.500000000e+00;
	v2 =	vmax.f32 v3, $-1.500000000e+00;
	v11 =	vtrunc.f32 v11  }
0x18a: {  	v8 =	vld [tilespmem:s0+$0x40];
	v10 =	vcvt.f32.s32 v10;
	v63 =	vmin.f32 v2, $1.500000000e+00;
	v2 =	vmax.f32 v4, $-1.500000000e+00  }
0x18b: {  	[tilespmem:$0x1FDE0] =	vst v1;
	v14 =	vtrunc.f32 v14;
	v11 =	vcvt.f32.s32 v11;
	vm0 =	vlt.s32 v13, $0x62  }
0x18c: {  	v3 =	vld [tilespmem:s0+$0x50];
	v18 =	vmin.f32 v2, $1.500000000e+00;
	v2 =	vmax.f32 v7, $-1.500000000e+00;
	v14 =	vcvt.f32.s32 v14  }
0x18d: {  	v4 =	vld [tilespmem:s0+$0x60];
	vm13 =	vlt.s32 v10, $0x62;
	v7 =	vnsel vm0, $0x62, v13;
	v13 =	vmul.f32 $3.300000000e+01, v38  }
0x18e: {  	v16 =	vmin.f32 v2, $1.500000000e+00;
	v2 =	vmax.f32 v12, $-1.500000000e+00;
	v12 =	vmul.f32 $3.300000000e+01, v0  }
0x18f: {  	v15 =	vld [tilespmem:s0+$0xFFFFFF80];
	vm1 =	vlt.s32 v11, $0x62;
	v22 =	vmin.f32 v2, $1.500000000e+00;
	v2 =	vmax.f32 v8, $-1.500000000e+00  }
0x190: {  	v42 =	vnsel vm13, $0x62, v10;
	v8 =	vmul.f32 $3.300000000e+01, v61;
	v20 =	vmin.f32 v2, $1.500000000e+00  }
0x191: {  	v23 =	vmul.f32 $3.300000000e+01, v22;
	v13 =	vadd.f32 $4.950000000e+01, v13;
	v2 =	vmax.f32 v3, $-1.500000000e+00  }
0x192: {  	v12 =	vadd.f32 $4.950000000e+01, v12;
	v21 =	vmin.f32 v2, $1.500000000e+00;
	v2 =	vmax.f32 v4, $-1.500000000e+00  }
0x193: {  	v24 =	vmul.f32 $3.300000000e+01, v20;
	v3 =	vmul.f32 $3.300000000e+01, v1;
	v1 =	vmin.f32 v2, $1.500000000e+00;
	v2 =	vld.idx.msk [tilespmem:v7+s19+$0x0], $0xffff;
	[tilespmem:$0x1FD40] =	vst v18  }
0x194: {  	v13 =	vtrunc.f32 v13;
	v12 =	vtrunc.f32 v12;
	v4 =	vmax.f32 v15, $-1.500000000e+00;
	[tilespmem:$0x1FD50] =	vst v16  }
0x195: {  	v15 =	vmul.f32 $3.300000000e+01, v63;
	v56 =	vadd.f32 $4.950000000e+01, v24;
	v13 =	vcvt.f32.s32 v13;
	[tilespmem:$0x1FD60] =	vst v22  }
0x196: {  	v17 =	vmin.f32 v4, $1.500000000e+00;
	v4 =	vmul.f32 $3.300000000e+01, v18;
	v18 =	vmul.f32 $3.300000000e+01, v16;
	[tilespmem:$0x1FD70] =	vst v20  }
0x197: {  	[tilespmem:$0x1FD80] =	vst v21;
	v25 =	vmul.f32 $3.300000000e+01, v21;
	v3 =	vadd.f32 $4.950000000e+01, v3;
	v19 =	vmul.f32 $3.300000000e+01, v17  }
0x198: {  	[tilespmem:$0x1FD90] =	vst v1;
	v26 =	vmul.f32 $3.300000000e+01, v1;
	v15 =	vadd.f32 $4.950000000e+01, v15;
	vm3 =	vlt.s32 v13, $0x62  }
0x199: {  	v4 =	vadd.f32 $4.950000000e+01, v4;
	v18 =	vadd.f32 $4.950000000e+01, v18;
	v7 =	vld.idx.msk [tilespmem:v7+s18+$0x0], $0xffff;
	v3 =	vtrunc.f32 v3  }
0x19a: {  	s6 =	simm.s32 $0x4380;
	v27 =	vld.idx.msk [tilespmem:v42+s19+$0x0], $0xffff;
	v19 =	vadd.f32 $4.950000000e+01, v19;
	v15 =	vtrunc.f32 v15;
	v3 =	vcvt.f32.s32 v3  }
0x19b: {  	v24 =	vadd.f32 $4.950000000e+01, v25;
	v29 =	vld [tilespmem:s6+$0xFFFFFF90];
	v4 =	vtrunc.f32 v4;
	v10 =	vcvt.f32.s32 v15  }
0x19c: {  	v30 =	vld [tilespmem:s6+$0xFFFFFFA0];
	v15 =	vnsel vm1, $0x62, v11;
	v2 =	vmul.f32 v9, v2;
	v9 =	vtrunc.f32 v19  }
0x19d: {  	v31 =	vld [tilespmem:s6+$0xFFFFFFB0];
	v25 =	vadd.f32 $4.950000000e+01, v26;
	v18 =	vtrunc.f32 v18;
	v9 =	vcvt.f32.s32 v9  }
0x19e: {  	v26 =	vld [tilespmem:s6+$0x70];
	v19 =	vadd.f32 $4.950000000e+01, v23;
	v11 =	vcvt.f32.s32 v18;
	vm6 =	vlt.s32 v3, $0x62  }
0x19f: {  	vm7 =	vlt.s32 v10, $0x62;
	v5 =	vmul.f32 v5, v27;
	v27 =	vld [tilespmem:s6+$0xFFFFFFE0];
	vm12 =	vlt.s32 v9, $0x62  }
0x1a0: {  	v19 =	vtrunc.f32 v19;
	v58 =	vmax.f32 v29, $-1.500000000e+00;
	v29 =	vld [tilespmem:s6+$0xFFFFFFF0];
	v41 =	vnsel vm12, $0x62, v9  }
0x1a1: {  	v22 =	vadd.f32 v2, v7;
	v7 =	vtrunc.f32 v25;
	v18 =	vcvt.f32.s32 v19;
	v28 =	vld.idx.msk [tilespmem:v15+s19+$0x0], $0xffff  }
0x1a2: {  	v25 =	vcvt.f32.s32 v4;
	v59 =	vmax.f32 v30, $-1.500000000e+00;
	v30 =	vld [tilespmem:s6+$0x0];
	v9 =	vnsel vm3, $0x62, v13  }
0x1a3: {  	v13 =	vnsel vm6, $0x62, v3;
	v3 =	vmax.f32 v26, $-1.500000000e+00;
	v26 =	vld [tilespmem:s6+$0xFFFFFFC0];
	vm10 =	vlt.s32 v18, $0x62  }
0x1a4: {  	v4 =	vcvt.f32.s32 v7;
	v7 =	vnsel vm7, $0x62, v10;
	v10 =	vnsel vm10, $0x62, v18;
	v18 =	vld [tilespmem:s6+$0xFFFFFFD0]  }
0x1a5: {  	v8 =	vadd.f32 $4.950000000e+01, v8;
	v12 =	vcvt.f32.s32 v12;
	v1 =	vmin.f32 v59, $1.500000000e+00;
	v57 =	vld.idx.msk [tilespmem:v41+s19+$0x0], $0xffff  }
0x1a6: {  	v23 =	vtrunc.f32 v56;
	v6 =	vmul.f32 v6, v28;
	v28 =	vmax.f32 v31, $-1.500000000e+00;
	v31 =	vld [tilespmem:s6+$0x10];
	[tilespmem:$0x1FDA0] =	vst v1  }
0x1a7: {  	vm2 =	vlt.s32 v14, $0x62;
	v8 =	vtrunc.f32 v8;
	v19 =	vcvt.f32.s32 v23;
	v33 =	vld [tilespmem:s6+$0x20]  }
0x1a8: {  	vm4 =	vlt.s32 v12, $0x62;
	v2 =	vtrunc.f32 v24;
	v24 =	vcvt.f32.s32 v8;
	v34 =	vld [tilespmem:s6+$0x30]  }
0x1a9: {  	v8 =	vnsel vm4, $0x62, v12;
	vm11 =	vlt.s32 v19, $0x62;
	v44 =	vmin.f32 v3, $1.500000000e+00;
	v35 =	vld [tilespmem:s6+$0x50]  }
0x1aa: {  	vm9 =	vlt.s32 v11, $0x62;
	v3 =	vnsel vm11, $0x62, v19;
	v19 =	vmul.f32 $3.300000000e+01, v44;
	v36 =	vld [tilespmem:s6+$0xFFFFFF80]  }
0x1ab: {  	v43 =	vnsel vm2, $0x62, v14;
	v2 =	vcvt.f32.s32 v2;
	v11 =	vnsel vm9, $0x62, v11;
	v37 =	vld [tilespmem:s6+$0x60]  }
0x1ac: {  	vm5 =	vlt.s32 v24, $0x62;
	vm8 =	vlt.s32 v25, $0x62;
	v19 =	vadd.f32 $4.950000000e+01, v19;
	v41 =	vld.idx.msk [tilespmem:v41+s18+$0x0], $0xffff  }
0x1ad: {  	v46 =	vmul.f32 $3.300000000e+01, v1;
	v12 =	vnsel vm8, $0x62, v25;
	v25 =	vmin.f32 v58, $1.500000000e+00;
	v42 =	vld.idx.msk [tilespmem:v42+s18+$0x0], $0xffff  }
0x1ae: {  	v14 =	vnsel vm5, $0x62, v24;
	v45 =	vmul.f32 $3.300000000e+01, v25;
	v19 =	vtrunc.f32 v19;
	v59 =	vld.idx.msk [tilespmem:v8+s19+$0x0], $0xffff  }
0x1af: {  	v29 =	vmax.f32 v29, $-1.500000000e+00;
	v30 =	vmax.f32 v30, $-1.500000000e+00;
	v20 =	vld.idx.msk [tilespmem:v13+s19+$0x0], $0xffff;
	v19 =	vcvt.f32.s32 v19  }
0x1b0: {  	v29 =	vmin.f32 v29, $1.500000000e+00;
	v24 =	vmin.f32 v28, $1.500000000e+00;
	v62 =	vld.idx.msk [tilespmem:v15+s18+$0x0], $0xffff;
	v18 =	vmax.f32 v18, $-1.500000000e+00  }
0x1b1: {  	v28 =	vmax.f32 v27, $-1.500000000e+00;
	v27 =	vmin.f32 v18, $1.500000000e+00;
	v18 =	vld [tilespmem:s6+$0x40];
	vm12 =	vlt.s32 v19, $0x62  }
0x1b2: {  	v26 =	vmax.f32 v26, $-1.500000000e+00;
	v1 =	vmin.f32 v30, $1.500000000e+00;
	v8 =	vld.idx.msk [tilespmem:v8+s18+$0x0], $0xffff;
	v19 =	vnsel vm12, $0x62, v19  }
0x1b3: {  	v52 =	vmul.f32 $3.300000000e+01, v29;
	v17 =	vmul.f32 v17, v57;
	v31 =	vmax.f32 v31, $-1.500000000e+00;
	v57 =	vld.idx.msk [tilespmem:v43+s19+$0x0], $0xffff  }
0x1b4: {  	v26 =	vmin.f32 v26, $1.500000000e+00;
	v28 =	vmin.f32 v28, $1.500000000e+00;
	v43 =	vld.idx.msk [tilespmem:v43+s18+$0x0], $0xffff;
	v30 =	vmin.f32 v31, $1.500000000e+00  }
0x1b5: {  	v31 =	vmax.f32 v33, $-1.500000000e+00;
	v23 =	vadd.f32 v5, v42;
	v5 =	vld.idx.msk [tilespmem:v14+s19+$0x0], $0xffff;
	v15 =	vmul.f32 v0, v59  }
0x1b6: {  	v33 =	vmovc v1;
	v59 =	vld.idx.msk [tilespmem:v12+s19+$0x0], $0xffff;
	v1 =	vmin.f32 v31, $1.500000000e+00;
	v31 =	vmax.f32 v34, $-1.500000000e+00;
	v18 =	vmax.f32 v18, $-1.500000000e+00  }
0x1b7: {  	v32 =	vmin.f32 v31, $1.500000000e+00;
	v31 =	vmin.f32 v18, $1.500000000e+00;
	v18 =	vmax.f32 v35, $-1.500000000e+00;
	v51 =	vld.idx.msk [tilespmem:v19+s19+$0x0], $0xffff  }
0x1b8: {  	v48 =	vmul.f32 $3.300000000e+01, v26;
	v12 =	vld.idx.msk [tilespmem:v12+s18+$0x0], $0xffff;
	v35 =	vmin.f32 v18, $1.500000000e+00;
	v18 =	vmax.f32 v36, $-1.500000000e+00  }
0x1b9: {  	v50 =	vmul.f32 $3.300000000e+01, v28;
	v60 =	vmax.f32 v37, $-1.500000000e+00;
	v37 =	vmin.f32 v18, $1.500000000e+00;
	v18 =	vld.idx.msk [tilespmem:v19+s18+$0x0], $0xffff  }
0x1ba: {  	vm14 =	vlt.s32 v2, $0x62;
	v49 =	vmul.f32 $3.300000000e+01, v27;
	v39 =	vmul.f32 v39, v57;
	v57 =	vld.idx.msk [tilespmem:v7+s19+$0x0], $0xffff  }
0x1bb: {  	v52 =	vadd.f32 $4.950000000e+01, v52;
	v50 =	vadd.f32 $4.950000000e+01, v50;
	v53 =	vmul.f32 $3.300000000e+01, v33;
	v7 =	vld.idx.msk [tilespmem:v7+s18+$0x0], $0xffff  }
0x1bc: {  	v49 =	vadd.f32 $4.950000000e+01, v49;
	v0 =	vmul.f32 v61, v5;
	v61 =	vld.idx.msk [tilespmem:v3+s19+$0x0], $0xffff;
	v44 =	vmul.f32 v44, v51  }
0x1bd: {  	v41 =	vadd.f32 v17, v41;
	v36 =	vmin.f32 v60, $1.500000000e+00;
	v58 =	vmul.f32 $3.300000000e+01, v35;
	v3 =	vld.idx.msk [tilespmem:v3+s18+$0x0], $0xffff  }
0x1be: {  	v60 =	vmul.f32 $3.300000000e+01, v36;
	v54 =	vmul.f32 $3.300000000e+01, v37;
	v40 =	vadd.f32 v44, v18;
	v44 =	vld.idx.msk [tilespmem:v9+s19+$0x0], $0xffff  }
0x1bf: {  	v55 =	vmul.f32 $3.300000000e+01, v1;
	v56 =	vmul.f32 $3.300000000e+01, v32;
	v21 =	vadd.f32 $4.950000000e+01, v58;
	v58 =	vld.idx.msk [tilespmem:v11+s19+$0x0], $0xffff  }
0x1c0: {  	v34 =	vmovc v1;
	v1 =	vtrunc.f32 v50;
	v5 =	vadd.f32 $4.950000000e+01, v60;
	v60 =	vld.idx.msk [tilespmem:v10+s19+$0x0], $0xffff;
	v54 =	vadd.f32 $4.950000000e+01, v54  }
0x1c1: {  	v50 =	vnsel vm14, $0x62, v2;
	v53 =	vadd.f32 $4.950000000e+01, v53;
	v56 =	vadd.f32 $4.950000000e+01, v56;
	v11 =	vld.idx.msk [tilespmem:v11+s18+$0x0], $0xffff  }
0x1c2: {  	v10 =	vld.idx.msk [tilespmem:v10+s18+$0x0], $0xffff;
	v42 =	vtrunc.f32 v54;
	v54 =	vadd.f32 $4.950000000e+01, v55;
	v55 =	vtrunc.f32 v49  }
0x1c3: {  	v49 =	vadd.f32 v6, v62;
	v6 =	vld.idx.msk [tilespmem:v13+s18+$0x0], $0xffff;
	v17 =	vmul.f32 v38, v44;
	v44 =	vtrunc.f32 v52  }
0x1c4: {  	vm15 =	vlt.s32 v4, $0x62;
	v9 =	vld.idx.msk [tilespmem:v9+s18+$0x0], $0xffff;
	v52 =	vtrunc.f32 v53;
	v53 =	vtrunc.f32 v54  }
0x1c5: {  	v46 =	vadd.f32 $4.950000000e+01, v46;
	v54 =	vtrunc.f32 v56;
	v56 =	vtrunc.f32 v5;
	v5 =	vld.idx.msk [tilespmem:v14+s18+$0x0], $0xffff;
	[tilespmem:$0x1FDB0] =	vst v3  }
0x1c6: {  	v45 =	vadd.f32 $4.950000000e+01, v45;
	v47 =	vmul.f32 $3.300000000e+01, v24;
	v2 =	vcvt.f32.s32 v54;
	v54 =	vld.idx.msk [tilespmem:v50+s18+$0x0], $0xffff  }
0x1c7: {  	v48 =	vadd.f32 $4.950000000e+01, v48;
	v19 =	vmul.f32 $3.300000000e+01, v30;
	v18 =	vnsel vm15, $0x62, v4  }
0x1c8: {  	v46 =	vtrunc.f32 v46;
	v45 =	vtrunc.f32 v45;
	v47 =	vadd.f32 $4.950000000e+01, v47  }
0x1c9: {  	v48 =	vtrunc.f32 v48;
	v19 =	vadd.f32 $4.950000000e+01, v19;
	v4 =	vcvt.f32.s32 v46  }
0x1ca: {  	v47 =	vtrunc.f32 v47;
	v16 =	vcvt.f32.s32 v48  }
0x1cb: {  	v51 =	vmul.f32 $3.300000000e+01, v31;
	v19 =	vtrunc.f32 v19;
	vm15 =	vlt.s32 v4, $0x62;
	v3 =	vld.idx.msk [tilespmem:v50+s19+$0x0], $0xffff;
	[tilespmem:$0x1FDC0] =	vst v54  }
0x1cc: {  	v62 =	vadd.f32 v39, v43;
	v39 =	vtrunc.f32 v21;
	v54 =	vnsel vm15, $0x62, v4;
	v4 =	vld.idx.msk [tilespmem:v18+s19+$0x0], $0xffff  }
0x1cd: {  	v21 =	vcvt.f32.s32 v45;
	v19 =	vcvt.f32.s32 v19;
	v18 =	vld.idx.msk [tilespmem:v18+s18+$0x0], $0xffff  }
0x1ce: {  	v42 =	vcvt.f32.s32 v42;
	v46 =	vcvt.f32.s32 v47  }
0x1cf: {  	vm4 =	vlt.s32 v16, $0x62;
	v48 =	vcvt.f32.s32 v55;
	v39 =	vcvt.f32.s32 v39  }
0x1d0: {  	s31 =	simm.s32 $0xC280;
	vm14 =	vlt.s32 v21, $0x62;
	vm0 =	vlt.s32 v19, $0x62;
	v38 =	vadd.f32 $4.950000000e+01, v51  }
0x1d1: {  	vm13 =	vlt.s32 v42, $0x62;
	vm3 =	vlt.s32 v46, $0x62;
	vm5 =	vlt.s32 v48, $0x62;
	[tilespmem:s31+$0x70] =	vst v22  }
0x1d2: {  	s0 =	simm.s32 $0xC380;
	v55 =	vnsel vm14, $0x62, v21;
	v14 =	vcvt.f32.s32 v1;
	v38 =	vtrunc.f32 v38;
	[tilespmem:$0x1FDD0] =	vst v18  }
0x1d3: {  	vm14 =	vlt.s32 v39, $0x62;
	v1 =	vcvt.f32.s32 v56;
	v38 =	vcvt.f32.s32 v38;
	[tilespmem:s0+$0x70] =	vst v40  }
0x1d4: {  	v39 =	vnsel vm14, $0x62, v39;
	v51 =	vnsel vm5, $0x62, v48;
	v56 =	vnsel vm13, $0x62, v42;
	[tilespmem:s31+$0xFFFFFF80] =	vst v41  }
0x1d5: {  	v44 =	vcvt.f32.s32 v44;
	vm13 =	vlt.s32 v38, $0x62;
	vm15 =	vlt.s32 v1, $0x62;
	[tilespmem:s31+$0xFFFFFF90] =	vst v23  }
0x1d6: {  	v43 =	vcvt.f32.s32 v52;
	v40 =	vnsel vm13, $0x62, v38;
	v38 =	vnsel vm15, $0x62, v1;
	v1 =	vld [tilespmem:$0x1FDE0]  }
0x1d7: {  	v13 =	vcvt.f32.s32 v53;
	v53 =	vnsel vm3, $0x62, v46;
	v52 =	vnsel vm4, $0x62, v16  }
0x1d8: {  	vm7 =	vlt.s32 v44, $0x62;
	vm8 =	vlt.s32 v43, $0x62;
	vm12 =	vlt.s32 v2, $0x62  }
0x1d9: {  	v46 =	vnsel vm7, $0x62, v44;
	v44 =	vnsel vm8, $0x62, v43;
	v43 =	vnsel vm0, $0x62, v19;
	v19 =	vld.idx.msk [tilespmem:v56+s19+$0x0], $0xffff  }
0x1da: {  	vm6 =	vlt.s32 v14, $0x62;
	vm9 =	vlt.s32 v13, $0x62;
	v41 =	vnsel vm12, $0x62, v2;
	v2 =	vld.idx.msk [tilespmem:v55+s19+$0x0], $0xffff  }
0x1db: {  	s2 =	simm.s32 $0x10;
	s30 =	simm.s32 $0xC380;
	s6 =	simm.s32 $0x4480;
	v48 =	vnsel vm6, $0x62, v14;
	v42 =	vnsel vm9, $0x62, v13;
	v13 =	vld.idx.msk [tilespmem:v54+s19+$0x0], $0xffff;
	v1 =	vmul.f32 v1, v20  }
.LBB2_9:
0x1dc: {  	v0 =	vadd.f32 v0, v5;
	v5 =	vld [tilespmem:$0x1FD70]  }
0x1dd: {  	v9 =	vadd.f32 v17, v9;
	v17 =	vld [tilespmem:$0x1FD40];
	v15 =	vadd.f32 v15, v8  }
0x1de: {  	v8 =	vld [tilespmem:$0x1FD50]  }
0x1df: {  	[tilespmem:s31+$0xFFFFFFD0] =	vst v15;
	v15 =	vadd.f32 v1, v6;
	v6 =	vld [tilespmem:$0x1FD90]  }
0x1e0: {  	v14 =	vld [tilespmem:s6+$0x70];
	_ =	sdelay $0x1  }
0x1e1: {  	[tilespmem:s31+$0xFFFFFFA0] =	vst v49;
	v16 =	vmul.f32 v63, v57  }
0x1e2: {  	[tilespmem:s31+$0xFFFFFFE0] =	vst v0;
	v18 =	vmul.f32 v17, v59;
	v49 =	vmul.f32 v8, v58;
	v8 =	vld [tilespmem:$0x1FD60]  }
0x1e3: {  	[tilespmem:s31+$0xFFFFFFC0] =	vst v9;
	v0 =	vadd.f32 v16, v7;
	v17 =	vmul.f32 v5, v61;
	v5 =	vld [tilespmem:$0x1FD80];
	v9 =	vmul.f32 v6, v4  }
0x1e4: {  	v6 =	vmul.f32 v25, v2;
	v2 =	vadd.f32 v18, v12;
	v12 =	vmax.f32 v14, $-1.500000000e+00;
	v14 =	vld [tilespmem:$0x1FDA0]  }
0x1e5: {  	v21 =	vld [tilespmem:s6+$0xFFFFFF90];
	[tilespmem:s31+$0xFFFFFFB0] =	vst v62;
	v1 =	vmov v26  }
0x1e6: {  	v50 =	vld [tilespmem:s6+$0xFFFFFFA0];
	[tilespmem:$0x1FCF0] =	vst v1  }
0x1e7: {  	v7 =	vld [tilespmem:s6+$0xFFFFFFD0];
	[tilespmem:s31+$0xFFFFFFF0] =	vst v15  }
0x1e8: {  	[tilespmem:s31+$0x0] =	vst v0;
	v0 =	vmov v27;
	v22 =	vmul.f32 v8, v60;
	v8 =	vmul.f32 v5, v3;
	v3 =	vld [tilespmem:s6+$0xFFFFFFB0]  }
0x1e9: {  	v4 =	vld [tilespmem:s6+$0xFFFFFFC0];
	[tilespmem:$0x1FD10] =	vst v0;
	v13 =	vmul.f32 v14, v13  }
0x1ea: {  	v15 =	vld [tilespmem:s6+$0xFFFFFFF0];
	v11 =	vadd.f32 v49, v11;
	[tilespmem:s31+$0x10] =	vst v2  }
0x1eb: {  	v1 =	vmax.f32 v21, $-1.500000000e+00;
	v12 =	vmin.f32 v12, $1.500000000e+00;
	v0 =	vmov v28;
	[tilespmem:$0x1FCD0] =	vst v13;
	v13 =	vld [tilespmem:s6+$0xFFFFFFE0]  }
0x1ec: {  	v62 =	vmin.f32 v1, $1.500000000e+00;
	[tilespmem:s31+$0x20] =	vst v11;
	v5 =	vmul.f32 v37, v19;
	v60 =	vmul.f32 $3.300000000e+01, v12;
	v11 =	vld [tilespmem:s6+$0x10]  }
0x1ed: {  	v10 =	vadd.f32 v22, v10;
	v14 =	vmax.f32 v50, $-1.500000000e+00;
	v2 =	vmax.f32 v3, $-1.500000000e+00;
	v3 =	vld [tilespmem:s6+$0x0]  }
0x1ee: {  	[tilespmem:$0x1FD20] =	vst v0;
	v0 =	vmovc v29;
	v4 =	vmax.f32 v4, $-1.500000000e+00;
	v29 =	vld [tilespmem:$0x1FDB0];
	v18 =	vmin.f32 v14, $1.500000000e+00;
	v14 =	vadd.f32 $4.950000000e+01, v60  }
0x1ef: {  	v19 =	vmul.f32 $3.300000000e+01, v62;
	v45 =	vmin.f32 v4, $1.500000000e+00;
	v4 =	vmax.f32 v7, $-1.500000000e+00;
	v7 =	vld [tilespmem:s6+$0x20];
	[tilespmem:s31+$0x30] =	vst v10  }
0x1f0: {  	v47 =	vmin.f32 v4, $1.500000000e+00;
	v14 =	vtrunc.f32 v14;
	v4 =	vmax.f32 v13, $-1.500000000e+00;
	v13 =	vld [tilespmem:s6+$0x30]  }
0x1f1: {  	v16 =	vmovc v32;
	v14 =	vcvt.f32.s32 v14;
	v50 =	vmin.f32 v4, $1.500000000e+00;
	v4 =	vmax.f32 v15, $-1.500000000e+00;
	v15 =	vld [tilespmem:s6+$0x40]  }
0x1f2: {  	[tilespmem:$0x1FD60] =	vst v16;
	v10 =	vmul.f32 $3.300000000e+01, v18;
	v3 =	vmax.f32 v3, $-1.500000000e+00;
	v16 =	vmin.f32 v4, $1.500000000e+00;
	v4 =	vld [tilespmem:s6+$0x50]  }
0x1f3: {  	[tilespmem:$0x1FD30] =	vst v0;
	v0 =	vmovc v33;
	vm0 =	vlt.s32 v14, $0x62;
	v33 =	vmin.f32 v3, $1.500000000e+00;
	v3 =	vmax.f32 v11, $-1.500000000e+00;
	v11 =	vld [tilespmem:s6+$0x60]  }
0x1f4: {  	v55 =	vld.idx.msk [tilespmem:v55+s18+$0x0], $0xffff;
	v61 =	vmovc v30;
	v30 =	vmin.f32 v3, $1.500000000e+00;
	v3 =	vmax.f32 v7, $-1.500000000e+00;
	v7 =	vnsel vm0, $0x62, v14  }
0x1f5: {  	v20 =	vmovc v34;
	v57 =	vld.idx.msk [tilespmem:v44+s19+$0x0], $0xffff;
	[tilespmem:$0x1FD40] =	vst v61;
	v61 =	vmul.f32 $3.300000000e+01, v47;
	v34 =	vmin.f32 v3, $1.500000000e+00;
	v3 =	vmax.f32 v13, $-1.500000000e+00  }
0x1f6: {  	[tilespmem:$0x1FDA0] =	vst v18;
	v18 =	vld [tilespmem:s6+$0xFFFFFF80];
	v49 =	vmin.f32 v2, $1.500000000e+00;
	v32 =	vmin.f32 v3, $1.500000000e+00;
	v3 =	vmax.f32 v15, $-1.500000000e+00  }
0x1f7: {  	v27 =	vadd.f32 $4.950000000e+01, v61;
	v61 =	vld.idx.msk [tilespmem:v40+s19+$0x0], $0xffff;
	v2 =	vmovc v31;
	v31 =	vmin.f32 v3, $1.500000000e+00;
	v3 =	vmax.f32 v4, $-1.500000000e+00  }
0x1f8: {  	v1 =	vmovc v35;
	v17 =	vadd.f32 v17, v29;
	v29 =	vld [tilespmem:$0x1FDC0];
	v35 =	vmin.f32 v3, $1.500000000e+00;
	v3 =	vmax.f32 v11, $-1.500000000e+00  }
0x1f9: {  	v19 =	vadd.f32 $4.950000000e+01, v19;
	[tilespmem:$0x1FCE0] =	vst v0;
	v0 =	vmov v36;
	v36 =	vmin.f32 v3, $1.500000000e+00;
	v3 =	vld.idx.msk [tilespmem:v7+s19+$0x0], $0xffff  }
0x1fa: {  	[tilespmem:s31+$0x40] =	vst v17;
	v17 =	vld [tilespmem:$0x1FDD0]  }
0x1fb: {  	v60 =	vmul.f32 $3.300000000e+01, v45;
	v19 =	vtrunc.f32 v19;
	v10 =	vadd.f32 $4.950000000e+01, v10;
	v7 =	vld.idx.msk [tilespmem:v7+s18+$0x0], $0xffff  }
0x1fc: {  	v59 =	vld.idx.msk [tilespmem:v43+s19+$0x0], $0xffff;
	v19 =	vcvt.f32.s32 v19  }
0x1fd: {  	v26 =	vadd.f32 $4.950000000e+01, v60;
	v60 =	vld.idx.msk [tilespmem:v41+s19+$0x0], $0xffff;
	v58 =	vmul.f32 $3.300000000e+01, v49;
	v10 =	vtrunc.f32 v10  }
0x1fe: {  	[tilespmem:$0x1FD90] =	vst v0;
	v0 =	vld.idx.msk [tilespmem:v52+s19+$0x0], $0xffff;
	v8 =	vadd.f32 v8, v29;
	v11 =	vmax.f32 v18, $-1.500000000e+00;
	v3 =	vmul.f32 v12, v3  }
0x1ff: {  	[tilespmem:$0x1FD80] =	vst v1;
	v14 =	vld.idx.msk [tilespmem:v48+s19+$0x0], $0xffff;
	v17 =	vadd.f32 v9, v17;
	v4 =	vmul.f32 $3.300000000e+01, v16;
	v37 =	vmin.f32 v11, $1.500000000e+00  }
0x200: {  	[tilespmem:$0x1FD70] =	vst v2;
	v29 =	vld.idx.msk [tilespmem:v53+s18+$0x0], $0xffff;
	v1 =	vmul.f32 $3.300000000e+01, v35;
	v63 =	vmul.f32 $3.300000000e+01, v37;
	v7 =	vadd.f32 v3, v7  }
0x201: {  	s0 =	sadd.s32 $0x100, s0;
	v26 =	vtrunc.f32 v26;
	v27 =	vtrunc.f32 v27;
	v28 =	vadd.f32 $4.950000000e+01, v4;
	v4 =	vld.idx.msk [tilespmem:v38+s19+$0x0], $0xffff;
	[tilespmem:s31+$0x60] =	vst v17  }
0x202: {  	v26 =	vcvt.f32.s32 v26;
	v2 =	vmovc v24;
	v1 =	vadd.f32 $4.950000000e+01, v1;
	v24 =	vadd.f32 $4.950000000e+01, v63;
	[tilespmem:s0+$0x70] =	vst v7;
	v7 =	vld.idx.msk [tilespmem:v56+s18+$0x0], $0xffff  }
0x203: {  	v27 =	vcvt.f32.s32 v27;
	[tilespmem:$0x1FD00] =	vst v0;
	v0 =	vmul.f32 $3.300000000e+01, v31;
	v63 =	vadd.f32 $4.950000000e+01, v58;
	v56 =	vld.idx.msk [tilespmem:v38+s18+$0x0], $0xffff  }
0x204: {  	v13 =	vld.idx.msk [tilespmem:v53+s19+$0x0], $0xffff;
	v1 =	vtrunc.f32 v1;
	v12 =	vtrunc.f32 v24  }
0x205: {  	v24 =	vtrunc.f32 v63;
	v63 =	vld.idx.msk [tilespmem:v54+s18+$0x0], $0xffff;
	v17 =	vcvt.f32.s32 v12  }
0x206: {  	[tilespmem:$0x1FD50] =	vst v20;
	v20 =	vmul.f32 $3.300000000e+01, v50;
	v0 =	vadd.f32 $4.950000000e+01, v0;
	v1 =	vcvt.f32.s32 v1;
	v3 =	vld.idx.msk [tilespmem:v39+s19+$0x0], $0xffff  }
0x207: {  	[tilespmem:s31+$0x50] =	vst v8;
	vm0 =	vlt.s32 v17, $0x62;
	v7 =	vadd.f32 v5, v7;
	v5 =	vld.idx.msk [tilespmem:v48+s18+$0x0], $0xffff;
	v48 =	vcvt.f32.s32 v10  }
0x208: {  	v10 =	vadd.f32 v6, v55;
	v55 =	vld.idx.msk [tilespmem:v39+s18+$0x0], $0xffff;
	[tilespmem:$0x1FDD0] =	vst v56;
	v56 =	vnsel vm0, $0x62, v17;
	vm0 =	vlt.s32 v1, $0x62  }
0x209: {  	v21 =	vmul.f32 $3.300000000e+01, v33;
	v0 =	vtrunc.f32 v0;
	v39 =	vnsel vm0, $0x62, v1;
	v1 =	vld [tilespmem:$0x1FCD0]  }
0x20a: {  	v15 =	vld.idx.msk [tilespmem:v51+s19+$0x0], $0xffff;
	v0 =	vcvt.f32.s32 v0;
	v24 =	vcvt.f32.s32 v24  }
0x20b: {  	v20 =	vadd.f32 $4.950000000e+01, v20;
	v22 =	vmul.f32 $3.300000000e+01, v34;
	v21 =	vadd.f32 $4.950000000e+01, v21;
	v9 =	vld.idx.msk [tilespmem:v52+s18+$0x0], $0xffff  }
0x20c: {  	v11 =	vmul.f32 $3.300000000e+01, v30;
	v25 =	vmul.f32 $3.300000000e+01, v36;
	v54 =	vld.idx.msk [tilespmem:v40+s18+$0x0], $0xffff;
	vm12 =	vlt.s32 v0, $0x62  }
0x20d: {  	v40 =	vnsel vm12, $0x62, v0;
	v0 =	vmul.f32 v2, v13;
	v13 =	vld [tilespmem:$0x1FD00];
	vm3 =	vlt.s32 v24, $0x62  }
0x20e: {  	v25 =	vadd.f32 $4.950000000e+01, v25;
	v53 =	vnsel vm3, $0x62, v24;
	v24 =	vmovc v49;
	v49 =	vadd.f32 v1, v63;
	v1 =	vld [tilespmem:$0x1FCF0]  }
0x20f: {  	v20 =	vtrunc.f32 v20;
	v23 =	vmul.f32 $3.300000000e+01, v32;
	v18 =	vld.idx.msk [tilespmem:v46+s19+$0x0], $0xffff;
	v11 =	vadd.f32 $4.950000000e+01, v11  }
0x210: {  	vm1 =	vlt.s32 v19, $0x62;
	v21 =	vtrunc.f32 v21;
	v58 =	vld.idx.msk [tilespmem:v42+s19+$0x0], $0xffff;
	v25 =	vtrunc.f32 v25  }
0x211: {  	vm4 =	vlt.s32 v26, $0x62;
	v11 =	vtrunc.f32 v11;
	v12 =	vld.idx.msk [tilespmem:v43+s18+$0x0], $0xffff;
	v25 =	vcvt.f32.s32 v25  }
0x212: {  	v22 =	vadd.f32 $4.950000000e+01, v22;
	v20 =	vcvt.f32.s32 v20;
	v43 =	vcvt.f32.s32 v11;
	v11 =	vld.idx.msk [tilespmem:v42+s18+$0x0], $0xffff  }
0x213: {  	vm5 =	vlt.s32 v27, $0x62;
	v21 =	vcvt.f32.s32 v21;
	v17 =	vmul.f32 v1, v13;
	v1 =	vld [tilespmem:$0x1FD10]  }
0x214: {  	v23 =	vadd.f32 $4.950000000e+01, v23;
	v22 =	vtrunc.f32 v22;
	v8 =	vld.idx.msk [tilespmem:v51+s18+$0x0], $0xffff;
	vm13 =	vlt.s32 v25, $0x62  }
0x215: {  	v22 =	vcvt.f32.s32 v22;
	s31 =	smov.u32 s30;
	v38 =	vnsel vm13, $0x62, v25;
	v25 =	vmovc v62;
	v62 =	vadd.f32 v0, v29;
	v0 =	vld [tilespmem:$0x1FD20]  }
0x216: {  	v52 =	vnsel vm4, $0x62, v26;
	v28 =	vtrunc.f32 v28;
	v23 =	vtrunc.f32 v23;
	v6 =	vld.idx.msk [tilespmem:v46+s18+$0x0], $0xffff;
	[tilespmem:s31+$0xFFFFFF80] =	vst v7  }
0x217: {  	s2 =	sadd.s32 $0x10, s2;
	v28 =	vcvt.f32.s32 v28;
	v7 =	vld.idx.msk [tilespmem:v44+s18+$0x0], $0xffff;
	vm2 =	vlt.s32 v48, $0x62;
	[tilespmem:$0x1FDC0] =	vst v55;
	v55 =	vnsel vm1, $0x62, v19  }
0x218: {  	p0 =	slt.u32 s2, $0x3F0;
	v23 =	vcvt.f32.s32 v23;
	[tilespmem:$0x1FDB0] =	vst v54;
	v54 =	vnsel vm2, $0x62, v48;
	v15 =	vmul.f32 v1, v15;
	v1 =	vld [tilespmem:$0x1FD30]  }
.Ltmp6:
0x219: {  	vm6 =	vlt.s32 v20, $0x62;
	vm8 =	vlt.s32 v21, $0x62;
	vm10 =	vlt.s32 v22, $0x62;
	[tilespmem:s31+$0xFFFFFF90] =	vst v10;
	v10 =	vld.idx.msk [tilespmem:v41+s18+$0x0], $0xffff;
	(pc) =	sbr.rel @p0 .LBB2_9-.Ltmp6, $4  }
0x21a: {  	vm7 =	vlt.s32 v28, $0x62;
	vm11 =	vlt.s32 v23, $0x62;
	vm9 =	vlt.s32 v43, $0x62;
	v19 =	vld.idx.msk [tilespmem:v56+s19+$0x0], $0xffff  }
0x21b: {  	v42 =	vnsel vm10, $0x62, v22;
	v51 =	vnsel vm5, $0x62, v27;
	v43 =	vnsel vm9, $0x62, v43;
	v63 =	vld [tilespmem:$0x1FCE0]  }
0x21c: {  	v26 =	vmovc v45;
	v27 =	vmovc v47;
	v46 =	vnsel vm7, $0x62, v28;
	v0 =	vmul.f32 v0, v14;
	v44 =	vnsel vm8, $0x62, v21;
	v2 =	vld.idx.msk [tilespmem:v55+s19+$0x0], $0xffff  }
0x21d: {  	s6 =	sadd.s32 $0x100, s6;
	s30 =	smov.u32 s0;
	v29 =	vmovc v16;
	v28 =	vmovc v50;
	v41 =	vnsel vm11, $0x62, v23;
	v48 =	vnsel vm6, $0x62, v20;
	v13 =	vld.idx.msk [tilespmem:v54+s19+$0x0], $0xffff;
	v1 =	vmul.f32 v1, v18  }
0x21e: {  	_ =	sdelay $0x3  }
0x21f: {  	v14 =	vld.idx.msk [tilespmem:v53+s19+$0x0], $0xffff  }
0x220: {  	v16 =	vld.idx.msk [tilespmem:v52+s19+$0x0], $0xffff  }
0x221: {  	v18 =	vld.idx.msk [tilespmem:v51+s19+$0x0], $0xffff  }
0x222: {  	v20 =	vld.idx.msk [tilespmem:v48+s19+$0x0], $0xffff  }
0x223: {  	v21 =	vld.idx.msk [tilespmem:v46+s19+$0x0], $0xffff  }
0x224: {  	v22 =	vld.idx.msk [tilespmem:v44+s19+$0x0], $0xffff  }
0x225: {  	[tilespmem:s31+$0xFFFFFFA0] =	vst v49;
	v9 =	vadd.f32 v17, v9;
	v17 =	vld.idx.msk [tilespmem:v43+s19+$0x0], $0xffff  }
0x226: {  	[tilespmem:s31+$0xFFFFFFB0] =	vst v62;
	v8 =	vadd.f32 v15, v8;
	v0 =	vadd.f32 v0, v5;
	v5 =	vld.idx.msk [tilespmem:v41+s19+$0x0], $0xffff  }
0x227: {  	v49 =	vld.idx.msk [tilespmem:v56+s18+$0x0], $0xffff;
	[tilespmem:s31+$0xFFFFFFC0] =	vst v9  }
0x228: {  	v9 =	vld [tilespmem:$0x1FD40];
	[tilespmem:s31+$0xFFFFFFD0] =	vst v8  }
0x229: {  	v8 =	vld [tilespmem:$0x1FD50]  }
0x22a: {  	v56 =	vld.idx.msk [tilespmem:v55+s18+$0x0], $0xffff;
	[tilespmem:s31+$0xFFFFFFE0] =	vst v0  }
0x22b: {  	v45 =	vld [tilespmem:$0x1FD60]  }
0x22c: {  	v44 =	vld.idx.msk [tilespmem:v44+s18+$0x0], $0xffff;
	v23 =	vmul.f32 v63, v57  }
0x22d: {  	v1 =	vadd.f32 v1, v6;
	v6 =	vld.idx.msk [tilespmem:v40+s19+$0x0], $0xffff;
	v9 =	vmul.f32 v9, v59  }
0x22e: {  	v63 =	vadd.f32 v23, v7;
	v7 =	vld.idx.msk [tilespmem:v39+s19+$0x0], $0xffff;
	v8 =	vmul.f32 v8, v58  }
0x22f: {  	[tilespmem:s31+$0xFFFFFFF0] =	vst v1;
	v1 =	vld.idx.msk [tilespmem:v38+s19+$0x0], $0xffff;
	v9 =	vadd.f32 v9, v12  }
0x230: {  	v47 =	vld [tilespmem:$0x1FD70];
	[tilespmem:s31+$0x0] =	vst v63;
	v23 =	vmul.f32 v45, v60;
	v8 =	vadd.f32 v8, v11  }
0x231: {  	v50 =	vld [tilespmem:$0x1FD80];
	[tilespmem:s31+$0x10] =	vst v9  }
0x232: {  	v10 =	vadd.f32 v23, v10;
	v57 =	vld [tilespmem:$0x1FD90];
	[tilespmem:s31+$0x20] =	vst v8  }
0x233: {  	v8 =	vld [tilespmem:$0x1FDB0]  }
0x234: {  	v63 =	vld.idx.msk [tilespmem:v51+s18+$0x0], $0xffff;
	[tilespmem:s31+$0x30] =	vst v10  }
0x235: {  	v10 =	vld [tilespmem:$0x1FDC0]  }
0x236: {  	v51 =	vld.idx.msk [tilespmem:v41+s18+$0x0], $0xffff;
	v12 =	vmul.f32 v47, v61  }
0x237: {  	v59 =	vmul.f32 v37, v19;
	v19 =	vld.idx.msk [tilespmem:v48+s18+$0x0], $0xffff  }
0x238: {  	v60 =	vld.idx.msk [tilespmem:v53+s18+$0x0], $0xffff;
	v3 =	vmul.f32 v50, v3;
	v8 =	vadd.f32 v12, v8  }
0x239: {  	v2 =	vmul.f32 v25, v2;
	v61 =	vld.idx.msk [tilespmem:v52+s18+$0x0], $0xffff  }
0x23a: {  	v23 =	vmul.f32 v24, v14;
	v24 =	vld.idx.msk [tilespmem:v46+s18+$0x0], $0xffff;
	v3 =	vadd.f32 v3, v10;
	[tilespmem:s31+$0x40] =	vst v8  }
0x23b: {  	v0 =	vadd.f32 v59, v49;
	v8 =	vld [tilespmem:$0x1FDD0]  }
0x23c: {  	v2 =	vadd.f32 v2, v56;
	v37 =	vmul.f32 v26, v16;
	v62 =	vld [tilespmem:$0x1FDA0];
	[tilespmem:s31+$0x50] =	vst v3  }
0x23d: {  	v47 =	vmul.f32 v28, v20;
	v46 =	vld.idx.msk [tilespmem:v43+s18+$0x0], $0xffff;
	v9 =	vadd.f32 v23, v60;
	[tilespmem:s30+$0xFFFFFF80] =	vst v0  }
0x23e: {  	v50 =	vmul.f32 v29, v21;
	v60 =	vld.idx.msk [tilespmem:v38+s18+$0x0], $0xffff;
	v48 =	vadd.f32 v37, v61;
	[tilespmem:s30+$0xFFFFFF90] =	vst v2  }
0x23f: {  	v58 =	vld.idx.msk [tilespmem:v54+s18+$0x0], $0xffff;
	v52 =	vmul.f32 v33, v22;
	v53 =	vadd.f32 v47, v19;
	[tilespmem:s30+$0xFFFFFFB0] =	vst v9  }
0x240: {  	v55 =	vmul.f32 v30, v17;
	v54 =	vld.idx.msk [tilespmem:v40+s18+$0x0], $0xffff;
	v56 =	vadd.f32 v50, v24;
	[tilespmem:s30+$0xFFFFFFC0] =	vst v48  }
0x241: {  	v45 =	vmul.f32 v27, v18;
	v1 =	vmul.f32 v36, v1;
	v59 =	vadd.f32 v52, v44;
	[tilespmem:s30+$0xFFFFFFE0] =	vst v53  }
0x242: {  	v4 =	vmul.f32 v57, v4;
	v57 =	vld.idx.msk [tilespmem:v39+s18+$0x0], $0xffff;
	v10 =	vadd.f32 v55, v46;
	[tilespmem:s30+$0xFFFFFFF0] =	vst v56  }
0x243: {  	v15 =	vld.idx.msk [tilespmem:v42+s19+$0x0], $0xffff;
	v5 =	vmul.f32 v32, v5;
	v1 =	vadd.f32 v1, v60;
	[tilespmem:s30+$0x0] =	vst v59  }
0x244: {  	v61 =	vmul.f32 v31, v6;
	v2 =	vadd.f32 v45, v63;
	[tilespmem:s30+$0x10] =	vst v10  }
0x245: {  	v49 =	vld.idx.msk [tilespmem:v42+s18+$0x0], $0xffff;
	v63 =	vmul.f32 v35, v7;
	v3 =	vadd.f32 v5, v51;
	[tilespmem:s30+$0x60] =	vst v1  }
0x246: {  	[tilespmem:s30+$0xFFFFFFD0] =	vst v2;
	v2 =	vadd.f32 v61, v54;
	v13 =	vmul.f32 v62, v13  }
0x247: {  	[tilespmem:s30+$0x30] =	vst v3;
	v0 =	vadd.f32 v63, v57  }
0x248: {  	p0 =	seq.s32 s26, $0xF;
	[tilespmem:s30+$0x40] =	vst v2;
	v4 =	vadd.f32 v4, v8;
	v25 =	vadd.f32 v13, v58;
	v58 =	vmul.f32 v34, v15  }
.Ltmp7:
0x249: {  	[tilespmem:s30+$0x50] =	vst v0;
	(pc) =	sbr.rel @p0 .LBB2_12-.Ltmp7, $4  }
0x24a: {  	[tilespmem:s31+$0x60] =	vst v4;
	v62 =	vadd.f32 v58, v49  }
0x24b: {  	s0 =	sadd.s32 s29, s3;
	[tilespmem:s30+$0xFFFFFFA0] =	vst v25  }
0x24c: {  	s0 =	sadd.s32 $0x800, s0;
	[tilespmem:s30+$0x20] =	vst v62  }
0x24d: {  	[hbm4b:s0+s4] =	stream.linear.scatter [tilespmem:s23], [sflag:$0x4], $0x4000, $0x38;
	[tilespmem:$0x10200] =	vst v63  }
.Ltmp8:
0x24e: {  	(pc) =	sbr.rel .LBB2_2-.Ltmp8, $4  }
0x24f: {  	s0 =	sadd.s32 s28, s11  }
0x250: {  	s0 =	sshrl.u32 s0, $0x3  }
0x251: {  	s26 =	sadd.s32 $0x1, s26;
	s0 =	sadd.s32 s1, s0  }
0x252: {  	[tilespmem:s16], [sflag:$0x2] =	stream.linear.gather [hbm4b:s0+s4], $0x4000, $0x38;
	[tilespmem:$0x10200] =	vst v63  }
.LBB2_13:
0x253: {  	_ =	sfence.sel $0x180000  }
0x254: {  	[bflag:$0x0] =	sbarrier.arrive $0xFFFF  }
0x255: {  	_ =	strace $0x90000047  }
0x256: {  	s0 =	stileid.u32;
	[bflag:$0x2] =	sbarrier.arrive $0xFFFF  }
0x257: {  	p0 =	sne.s32 s0, $0x0;
	s0 =	rddreg [dreg:$0x3]  }
0x258: {  	s0 =	sadd.s32 @!p0 $0x100000, s0  }
0x259: {  	[sflag:s0] =	ssyncadd.tile.s32 @!p0 $0x1;
	_ =	shalt  }
.Lfunc_end2:
_tile_overlayer_lowered:
.L_overlay_start_2:
0x25a: {  	(tag) =	ssettag $0x2  }
0x25b: {  	s0 =	rddreg [dreg:$0x0];
	s2 =	stileid.u32  }
0x25c: {  	s1 =	rddreg [dreg:$0x1];
	p0 =	sne.s32 s2, $0x0  }
0x25d: {  	s3 =	rddreg [dreg:$0x2];
	[bflag:$0x3] =	sbarrier.arrive $0xFFFF;
	s2 =	simm.s32 @!p0 $0x1C05  }
0x25e: {  	[timem:s3], [sflag:s2] =	dma.local @!p0 [hbm:s0], s1  }
0x25f: {  	s0 =	simm.s32 @!p0 $0x5  }
0x260: {  	_ =	swait.ge @!p0 [sflag:s0], s1  }
0x261: {  	s1 =	ssub.s32 @!p0 $0x0, s1;
	[sflag:s0] =	ssyncset.done @!p0 $0x0  }
0x262: {  	[sflag:s0] =	ssyncadd.s32 @!p0 s1  }
0x263: {  	[bflag:$0x3] =	sbarrier.arrive $0xFFFF  }
0x264: {  	_ =	shalt  }

</sc_bundles>
